<compile_context>
chip_gen: v7x
topology: tpu7x:2x2x1
jax: 0.10.2.dev20260603
libtpu: 0.0.44.dev20260713+nightly
codegen_flags: <defaults>
</compile_context>

<pallas_src>
import functools

import jax
import jax.numpy as jnp
from jax import lax
from jax.experimental import pallas as pl
from jax.experimental.pallas import tpu as pltpu
from jax.experimental.pallas import tpu_sc as plsc

N_POINTS = 20
X_MIN = -1.0
X_MAX = 1.0

_L = 16
_NW = 32
_CHUNK_ROWS = 96


@functools.lru_cache(maxsize=None)
def _make_sc_call(nrows: int, ncols: int):
    assert nrows % (_NW * _CHUNK_ROWS) == 0 and ncols % _L == 0
    per_w = nrows // _NW
    nchunks = per_w // _CHUNK_ROWS
    assert nchunks % 2 == 0
    cr = _CHUNK_ROWS
    nslices = ncols // _L
    scale = float(N_POINTS) / (X_MAX - X_MIN + 1e-8)
    mesh = plsc.VectorSubcoreMesh(core_axis_name="c", subcore_axis_name="s")

    @functools.partial(
        pl.kernel,
        mesh=mesh,
        out_type=jax.ShapeDtypeStruct((nrows, ncols), jnp.float32),
        compiler_params=pltpu.CompilerParams(
            needs_layout_passes=False, use_tc_tiling_on_sc=True),
        scratch_types=[
            pltpu.VMEM((32,), jnp.float32),
            pltpu.VMEM((64,), jnp.float32),
            pltpu.VMEM((64,), jnp.float32),
            pltpu.VMEM((cr, ncols), jnp.float32),
            pltpu.VMEM((cr, ncols), jnp.float32),
            pltpu.VMEM((cr, ncols), jnp.float32),
            pltpu.VMEM((cr, ncols), jnp.float32),
            pltpu.SemaphoreType.DMA,
            pltpu.SemaphoreType.DMA,
            pltpu.SemaphoreType.DMA,
            pltpu.SemaphoreType.DMA,
        ],
    )
    def sc_kernel(rho_hbm, x_hbm, out_hbm,
                  rb, tm, td, xb0, xb1, yb0, yb1, is0, is1, os0, os1):
        wid = lax.axis_index("s") * 2 + lax.axis_index("c")
        base = wid * per_w
        pltpu.sync_copy(rho_hbm, rb.at[pl.ds(0, N_POINTS + 1)])
        pltpu.async_copy(x_hbm.at[pl.ds(base, cr)], xb0, is0)

        lane = lax.iota(jnp.int32, _L)
        r0 = rb[pl.ds(0, _L)]
        r1 = rb[pl.ds(_L, _L)]
        rho0 = jnp.max(jnp.where(lane == 0, r0, jnp.float32(-3e38)))
        e0 = jnp.exp(r0 - rho0)
        e1 = jnp.where(lane < (21 - _L), jnp.exp(r1 - rho0), jnp.float32(0.0))
        s0 = jnp.sum(e0)
        c0 = plsc.cumsum(e0)
        c1 = plsc.cumsum(e1) + s0
        total = s0 + jnp.sum(e1)
        two = jnp.float32(2.0)
        one = jnp.float32(1.0)
        inv = jnp.ones((_L,), jnp.float32) / (
            jnp.zeros((_L,), jnp.float32) + (total - one + jnp.float32(1e-8)))
        tm[pl.ds(0, _L)] = two * ((c0 - one) * inv) - one
        tm[pl.ds(_L, _L)] = two * ((c1 - one) * inv) - one
        tm[pl.ds(2 * _L, _L)] = jnp.zeros((_L,), jnp.float32)
        td[pl.ds(0, _L)] = tm[pl.ds(1, _L)] - tm[pl.ds(0, _L)]
        td[pl.ds(_L, _L)] = tm[pl.ds(_L + 1, _L)] - tm[pl.ds(_L, _L)]

        bufs = ((xb0, yb0, is0, os0), (xb1, yb1, is1, os1))

        def process(c, s):
            xb, yb, isem, osem = bufs[s]
            nxb, _, nisem, _ = bufs[1 - s]

            @pl.when(c + 1 < nchunks)
            def _():
                pltpu.async_copy(
                    x_hbm.at[pl.ds(base + (c + 1) * cr, cr)], nxb, nisem)

            pltpu.make_async_copy(x_hbm.at[pl.ds(0, cr)], xb, isem).wait()

            @pl.when(c >= 2)
            def _():
                pltpu.make_async_copy(
                    yb, out_hbm.at[pl.ds(0, cr)], osem).wait()

            @plsc.parallel_loop(0, cr, step=1, unroll=1)
            def _(r):
                for cs in range(nslices):
                    v = xb[r, pl.ds(cs * _L, _L)]
                    t = v * jnp.float32(scale) + jnp.float32(scale)
                    i = t.astype(jnp.int32)
                    w = t - i.astype(jnp.float32)
                    yb[r, pl.ds(cs * _L, _L)] = (
                        plsc.load_gather(tm, [i]) + w * plsc.load_gather(td, [i]))

            pltpu.async_copy(yb, out_hbm.at[pl.ds(base + c * cr, cr)], osem)

        def pair_body(p, carry):
            process(2 * p, 0)
            process(2 * p + 1, 1)
            return carry

        lax.fori_loop(0, nchunks // 2, pair_body, 0)
        pltpu.make_async_copy(yb0, out_hbm.at[pl.ds(0, cr)], os0).wait()
        pltpu.make_async_copy(yb1, out_hbm.at[pl.ds(0, cr)], os1).wait()

    return sc_kernel


def kernel(x, rho):
    x2 = x.reshape(-1, x.shape[-1])
    out = _make_sc_call(x2.shape[0], x2.shape[1])(rho, x2)
    return out.reshape(x.shape)

# --- scband reference (transcript-rebuilt; emitter-appended) ---
"""Pipeline reference for scband-intensity-attacker-14989435863654 (READ-ONLY COPY).

The authoritative reference and input builder live on the scoring server;
editing this copy changes nothing except your own understanding.
"""

import jax, jax.numpy as jnp
import numpy as np

N_POINTS = 20
X_MIN = -1.0
X_MAX = 1.0


def setup_inputs(seed: int = 0) -> dict:
    key = jax.random.key(seed)
    k1, k2 = jax.random.split(key)
    x = jax.random.uniform(k1, (64, 3, 224, 224), dtype=jnp.float32)
    rho = jax.random.normal(k2, (N_POINTS + 1,), dtype=jnp.float32) * 0.1
    return {"x": x, "rho": rho}


def reference(x, rho):
    # intensity_mapping: monotone piecewise-linear mapping parameterized by rho
    exp_diff = jnp.exp(rho - rho[0])
    cumsum = jnp.cumsum(exp_diff, axis=0)
    total = cumsum[-1]
    mapping_points = (cumsum - 1.0) / (total - 1.0 + 1e-08)
    x_norm = (x - X_MIN) / (X_MAX - X_MIN + 1e-08)
    indices = x_norm * N_POINTS
    indices_floor = jnp.clip(jnp.floor(indices).astype(jnp.int32), 0, N_POINTS - 1)
    indices_ceil = jnp.clip(indices_floor + 1, 0, N_POINTS)
    weights = jnp.clip(indices - indices_floor.astype(jnp.float32), 0.0, 1.0)
    y_floor = jnp.take(mapping_points, indices_floor, axis=0)
    y_ceil = jnp.take(mapping_points, indices_ceil, axis=0)
    y_mapped = y_floor + weights * (y_ceil - y_floor)
    x_mapped = (X_MAX - X_MIN) * y_mapped + X_MIN
    # forward with mask=None
    return x_mapped

if __name__ == "__main__":
    import jax
    _d = setup_inputs()
    print(jax.jit(kernel)(*tuple(_d.values())))

</pallas_src>

<mosaic_0001>
#map = affine_map<(d0, d1) -> (0)>
#map1 = affine_map<(d0, d1) -> (0, 0)>
module attributes {stable_mosaic.version = 14 : i64} {
  func.func @sc_kernel(%arg0: i32, %arg1: i32, %arg2: memref<21xf32, #tpu.memory_space<hbm>>, %arg3: memref<43008x224xf32, #tpu.memory_space<hbm>>, %arg4: memref<43008x224xf32, #tpu.memory_space<hbm>>, %arg5: memref<32xf32, #tpu.memory_space<vmem>>, %arg6: memref<64xf32, #tpu.memory_space<vmem>>, %arg7: memref<64xf32, #tpu.memory_space<vmem>>, %arg8: memref<96x224xf32, #tpu.memory_space<vmem>>, %arg9: memref<96x224xf32, #tpu.memory_space<vmem>>, %arg10: memref<96x224xf32, #tpu.memory_space<vmem>>, %arg11: memref<96x224xf32, #tpu.memory_space<vmem>>, %arg12: memref<!tpu.dma_semaphore, #tpu.memory_space<semaphore_mem>>, %arg13: memref<!tpu.dma_semaphore, #tpu.memory_space<semaphore_mem>>, %arg14: memref<!tpu.dma_semaphore, #tpu.memory_space<semaphore_mem>>, %arg15: memref<!tpu.dma_semaphore, #tpu.memory_space<semaphore_mem>>) attributes {dimension_semantics = [#tpu.dimension_semantics<core_parallel>, #tpu.dimension_semantics<subcore_parallel>], iteration_bounds = array<i64: 2, 16>, scalar_prefetch = 0 : i64, scratch_operands = 11 : i64, tpu.core_type = #tpu.core_type<sc_vector_subcore>, window_params = [{transform_indices = #map}, {transform_indices = #map1}, {transform_indices = #map1}]} {
    %mul3A = arith.constant 2 : i32
    %mul3A_0 = arith.muli %arg1, %mul3A : i32
    %add3A = arith.addi %mul3A_0, %arg0 : i32
    %mul3A_1 = arith.constant 1344 : i32
    %mul3A_2 = arith.muli %add3A, %mul3A_1 : i32
    "tpu.region"() ({
      %run_scoped3A = tpu.sem_alloc : memref<!tpu.dma_semaphore, #tpu.memory_space<semaphore_mem>>
      %dma_start3A_105 = arith.constant 0 : i32
      %dma_start3A_106 = tpu.memref_slice %arg5[%dma_start3A_105] : memref<32xf32, #tpu.memory_space<vmem>> -> memref<21xf32, #tpu.memory_space<vmem>>
      %dma_start3A_107 = arith.constant 0 : i32
      %dma_start3A_108 = tpu.memref_slice %arg5[%dma_start3A_107] : memref<32xf32, #tpu.memory_space<vmem>> -> memref<21xf32, #tpu.memory_space<vmem>>
      tpu.enqueue_dma source(%arg2 : memref<21xf32, #tpu.memory_space<hbm>>) target(%dma_start3A_108 : memref<21xf32, #tpu.memory_space<vmem>>) target_semaphore(%run_scoped3A : memref<!tpu.dma_semaphore, #tpu.memory_space<semaphore_mem>>)
      %dma_wait3A_109 = arith.constant 0 : i32
      %dma_wait3A_110 = tpu.memref_slice %arg5[%dma_wait3A_109] : memref<32xf32, #tpu.memory_space<vmem>> -> memref<21xf32, #tpu.memory_space<vmem>>
      %dma_wait3A_111 = arith.constant 0 : i32
      %dma_wait3A_112 = tpu.memref_slice %arg5[%dma_wait3A_111] : memref<32xf32, #tpu.memory_space<vmem>> -> memref<21xf32, #tpu.memory_space<vmem>>
      tpu.wait_dma2 semaphore(%run_scoped3A : memref<!tpu.dma_semaphore, #tpu.memory_space<semaphore_mem>>) src(%arg2 : memref<21xf32, #tpu.memory_space<hbm>>) dst(%dma_wait3A_112 : memref<21xf32, #tpu.memory_space<vmem>>)
      tpu.yield
    }) : () -> ()
    %dma_start3A = arith.constant 0 : i32
    %dma_start3A_3 = tpu.memref_slice %arg3[%mul3A_2, %dma_start3A] : memref<43008x224xf32, #tpu.memory_space<hbm>> -> memref<96x224xf32, #tpu.memory_space<hbm>>
    %dma_start3A_4 = arith.constant 0 : i32
    %dma_start3A_5 = tpu.memref_slice %arg3[%mul3A_2, %dma_start3A_4] : memref<43008x224xf32, #tpu.memory_space<hbm>> -> memref<96x224xf32, #tpu.memory_space<hbm>>
    tpu.enqueue_dma source(%dma_start3A_5 : memref<96x224xf32, #tpu.memory_space<hbm>>) target(%arg8 : memref<96x224xf32, #tpu.memory_space<vmem>>) target_semaphore(%arg12 : memref<!tpu.dma_semaphore, #tpu.memory_space<semaphore_mem>>)
    %iota3A = tpu.iota {dimensions = array<i32: 0>} : vector<16xi32>
    %get3A = arith.constant 0 : index
    %get3A_6 = tpu.vector_load %arg5[%get3A] {strides = array<i32>} : memref<32xf32, #tpu.memory_space<vmem>>, vector<16xf32>,
    %get3A_7 = arith.constant 16 : index
    %get3A_8 = tpu.vector_load %arg5[%get3A_7] {strides = array<i32>} : memref<32xf32, #tpu.memory_space<vmem>>, vector<16xf32>,
    %eq3A = arith.constant 0 : i32
    %eq3A_9 = vector.broadcast %eq3A : i32 to vector<16xi32>
    %eq3A_10 = arith.cmpi eq, %iota3A, %eq3A_9 : vector<16xi32>
    %jit3A = arith.constant -3.000000e+38 : f32
    %broadcast_in_dim3A = vector.broadcast %jit3A : f32 to vector<16xf32>
    %select_n3A = arith.select %eq3A_10, %get3A_6, %broadcast_in_dim3A : vector<16xi1>, vector<16xf32>
    %reduce_max3A = arith.constant true
    %reduce_max3A_11 = vector.broadcast %reduce_max3A : i1 to vector<16xi1>
    %reduce_max3A_12 = tpu.scan <max>, %select_n3A masked %reduce_max3A_11 : vector<16xf32>, vector<16xi1> -> vector<16xf32>
    %reduce_max3A_13 = vector.extract %reduce_max3A_12[15] : f32 from vector<16xf32>
    %sub3A = vector.broadcast %reduce_max3A_13 : f32 to vector<16xf32>
    %sub3A_14 = arith.subf %get3A_6, %sub3A : vector<16xf32>
    %exp3A = math.exp %sub3A_14 : vector<16xf32>
    %lt3A = arith.constant 5 : i32
    %lt3A_15 = vector.broadcast %lt3A : i32 to vector<16xi32>
    %lt3A_16 = arith.cmpi slt, %iota3A, %lt3A_15 : vector<16xi32>
    %sub3A_17 = vector.broadcast %reduce_max3A_13 : f32 to vector<16xf32>
    %sub3A_18 = arith.subf %get3A_8, %sub3A_17 : vector<16xf32>
    %exp3A_19 = math.exp %sub3A_18 : vector<16xf32>
    %jit3A_20 = arith.constant 0.000000e+00 : f32
    %broadcast_in_dim3A_21 = vector.broadcast %jit3A_20 : f32 to vector<16xf32>
    %select_n3A_22 = arith.select %lt3A_16, %exp3A_19, %broadcast_in_dim3A_21 : vector<16xi1>, vector<16xf32>
    %reduce_sum3A = arith.constant true
    %reduce_sum3A_23 = vector.broadcast %reduce_sum3A : i1 to vector<16xi1>
    %reduce_sum3A_24 = tpu.scan <sum>, %exp3A masked %reduce_sum3A_23 : vector<16xf32>, vector<16xi1> -> vector<16xf32>
    %reduce_sum3A_25 = vector.extract %reduce_sum3A_24[15] : f32 from vector<16xf32>
    %broadcast_in_dim3A_26 = arith.constant true
    %broadcast_in_dim3A_27 = vector.broadcast %broadcast_in_dim3A_26 : i1 to vector<16xi1>
    %masked_cumsum3A = tpu.scan <sum>, %exp3A masked %broadcast_in_dim3A_27 : vector<16xf32>, vector<16xi1> -> vector<16xf32>
    %broadcast_in_dim3A_28 = arith.constant true
    %broadcast_in_dim3A_29 = vector.broadcast %broadcast_in_dim3A_28 : i1 to vector<16xi1>
    %masked_cumsum3A_30 = tpu.scan <sum>, %select_n3A_22 masked %broadcast_in_dim3A_29 : vector<16xf32>, vector<16xi1> -> vector<16xf32>
    %add3A_31 = vector.broadcast %reduce_sum3A_25 : f32 to vector<16xf32>
    %add3A_32 = arith.addf %masked_cumsum3A_30, %add3A_31 : vector<16xf32>
    %reduce_sum3A_33 = arith.constant true
    %reduce_sum3A_34 = vector.broadcast %reduce_sum3A_33 : i1 to vector<16xi1>
    %reduce_sum3A_35 = tpu.scan <sum>, %select_n3A_22 masked %reduce_sum3A_34 : vector<16xf32>, vector<16xi1> -> vector<16xf32>
    %reduce_sum3A_36 = vector.extract %reduce_sum3A_35[15] : f32 from vector<16xf32>
    %add3A_37 = arith.addf %reduce_sum3A_25, %reduce_sum3A_36 : f32
    %broadcast_in_dim3A_38 = arith.constant 1.000000e+00 : f32
    %broadcast_in_dim3A_39 = vector.broadcast %broadcast_in_dim3A_38 : f32 to vector<16xf32>
    %broadcast_in_dim3A_40 = arith.constant 0.000000e+00 : f32
    %broadcast_in_dim3A_41 = vector.broadcast %broadcast_in_dim3A_40 : f32 to vector<16xf32>
    %sub3A_42 = arith.constant 1.000000e+00 : f32
    %sub3A_43 = arith.subf %add3A_37, %sub3A_42 : f32
    %add3A_44 = arith.constant 9.99999993E-9 : f32
    %add3A_45 = arith.addf %sub3A_43, %add3A_44 : f32
    %add3A_46 = vector.broadcast %add3A_45 : f32 to vector<16xf32>
    %add3A_47 = arith.addf %broadcast_in_dim3A_41, %add3A_46 : vector<16xf32>
    %div3A = arith.divf %broadcast_in_dim3A_39, %add3A_47 : vector<16xf32>
    %sub3A_48 = arith.constant 1.000000e+00 : f32
    %sub3A_49 = vector.broadcast %sub3A_48 : f32 to vector<16xf32>
    %sub3A_50 = arith.subf %masked_cumsum3A, %sub3A_49 : vector<16xf32>
    %mul3A_51 = arith.mulf %sub3A_50, %div3A : vector<16xf32>
    %mul3A_52 = arith.constant 2.000000e+00 : f32
    %mul3A_53 = vector.broadcast %mul3A_52 : f32 to vector<16xf32>
    %mul3A_54 = arith.mulf %mul3A_53, %mul3A_51 : vector<16xf32>
    %sub3A_55 = arith.constant 1.000000e+00 : f32
    %sub3A_56 = vector.broadcast %sub3A_55 : f32 to vector<16xf32>
    %sub3A_57 = arith.subf %mul3A_54, %sub3A_56 : vector<16xf32>
    %swap3A = arith.constant 0 : index
    %swap3A_58 = tpu.vector_load %arg6[%swap3A] {strides = array<i32>} : memref<64xf32, #tpu.memory_space<vmem>>, vector<16xf32>,
    tpu.vector_store %arg6[%swap3A], %sub3A_57 {strides = array<i32>} : memref<64xf32, #tpu.memory_space<vmem>>, vector<16xf32>,
    %sub3A_59 = arith.constant 1.000000e+00 : f32
    %sub3A_60 = vector.broadcast %sub3A_59 : f32 to vector<16xf32>
    %sub3A_61 = arith.subf %add3A_32, %sub3A_60 : vector<16xf32>
    %mul3A_62 = arith.mulf %sub3A_61, %div3A : vector<16xf32>
    %mul3A_63 = arith.constant 2.000000e+00 : f32
    %mul3A_64 = vector.broadcast %mul3A_63 : f32 to vector<16xf32>
    %mul3A_65 = arith.mulf %mul3A_64, %mul3A_62 : vector<16xf32>
    %sub3A_66 = arith.constant 1.000000e+00 : f32
    %sub3A_67 = vector.broadcast %sub3A_66 : f32 to vector<16xf32>
    %sub3A_68 = arith.subf %mul3A_65, %sub3A_67 : vector<16xf32>
    %swap3A_69 = arith.constant 16 : index
    %swap3A_70 = tpu.vector_load %arg6[%swap3A_69] {strides = array<i32>} : memref<64xf32, #tpu.memory_space<vmem>>, vector<16xf32>,
    tpu.vector_store %arg6[%swap3A_69], %sub3A_68 {strides = array<i32>} : memref<64xf32, #tpu.memory_space<vmem>>, vector<16xf32>,
    %broadcast_in_dim3A_71 = arith.constant 0.000000e+00 : f32
    %broadcast_in_dim3A_72 = vector.broadcast %broadcast_in_dim3A_71 : f32 to vector<16xf32>
    %swap3A_73 = arith.constant 32 : index
    %swap3A_74 = tpu.vector_load %arg6[%swap3A_73] {strides = array<i32>} : memref<64xf32, #tpu.memory_space<vmem>>, vector<16xf32>,
    tpu.vector_store %arg6[%swap3A_73], %broadcast_in_dim3A_72 {strides = array<i32>} : memref<64xf32, #tpu.memory_space<vmem>>, vector<16xf32>,
    %get3A_75 = arith.constant 1 : index
    %get3A_76 = tpu.vector_load %arg6[%get3A_75] {strides = array<i32>} : memref<64xf32, #tpu.memory_space<vmem>>, vector<16xf32>,
    %get3A_77 = arith.constant 0 : index
    %get3A_78 = tpu.vector_load %arg6[%get3A_77] {strides = array<i32>} : memref<64xf32, #tpu.memory_space<vmem>>, vector<16xf32>,
    %sub3A_79 = arith.subf %get3A_76, %get3A_78 : vector<16xf32>
    %swap3A_80 = arith.constant 0 : index
    %swap3A_81 = tpu.vector_load %arg7[%swap3A_80] {strides = array<i32>} : memref<64xf32, #tpu.memory_space<vmem>>, vector<16xf32>,
    tpu.vector_store %arg7[%swap3A_80], %sub3A_79 {strides = array<i32>} : memref<64xf32, #tpu.memory_space<vmem>>, vector<16xf32>,
    %get3A_82 = arith.constant 17 : index
    %get3A_83 = tpu.vector_load %arg6[%get3A_82] {strides = array<i32>} : memref<64xf32, #tpu.memory_space<vmem>>, vector<16xf32>,
    %get3A_84 = arith.constant 16 : index
    %get3A_85 = tpu.vector_load %arg6[%get3A_84] {strides = array<i32>} : memref<64xf32, #tpu.memory_space<vmem>>, vector<16xf32>,
    %sub3A_86 = arith.subf %get3A_83, %get3A_85 : vector<16xf32>
    %swap3A_87 = arith.constant 16 : index
    %swap3A_88 = tpu.vector_load %arg7[%swap3A_87] {strides = array<i32>} : memref<64xf32, #tpu.memory_space<vmem>>, vector<16xf32>,
    tpu.vector_store %arg7[%swap3A_87], %sub3A_86 {strides = array<i32>} : memref<64xf32, #tpu.memory_space<vmem>>, vector<16xf32>,
    %scan3A = arith.constant 0 : i32
    %scan3A_89 = arith.constant 0 : i32
    %scan3A_90 = arith.constant 7 : i32
    %scan3A_91 = arith.addi %scan3A_89, %scan3A_90 : i32
    %scan3A_92 = arith.constant 1 : i32
    scf.for %scan3A_105 = %scan3A_89 to %scan3A_91 step %scan3A_92  : i32 {
      %mul3A_106 = arith.constant 2 : i32
      %mul3A_107 = arith.muli %mul3A_106, %scan3A_105 : i32
      %add3A_108 = arith.constant 1 : i32
      %add3A_109 = arith.addi %mul3A_107, %add3A_108 : i32
      %lt3A_110 = arith.constant 14 : i32
      %lt3A_111 = arith.cmpi slt, %add3A_109, %lt3A_110 : i32
      %convert_element_type3A = arith.extui %lt3A_111 : i1 to i32
      %cond3A = arith.constant 0 : i32
      %cond3A_112 = arith.cmpi ne, %convert_element_type3A, %cond3A : i32
      scf.if %cond3A_112 {
        %add3A_164 = arith.constant 1 : i32
        %add3A_165 = arith.addi %mul3A_107, %add3A_164 : i32
        %mul3A_166 = arith.constant 96 : i32
        %mul3A_167 = arith.muli %add3A_165, %mul3A_166 : i32
        %add3A_168 = arith.addi %mul3A_2, %mul3A_167 : i32
        %dma_start3A_169 = arith.constant 0 : i32
        %dma_start3A_170 = tpu.memref_slice %arg3[%add3A_168, %dma_start3A_169] : memref<43008x224xf32, #tpu.memory_space<hbm>> -> memref<96x224xf32, #tpu.memory_space<hbm>>
        %dma_start3A_171 = arith.constant 0 : i32
        %dma_start3A_172 = tpu.memref_slice %arg3[%add3A_168, %dma_start3A_171] : memref<43008x224xf32, #tpu.memory_space<hbm>> -> memref<96x224xf32, #tpu.memory_space<hbm>>
        tpu.enqueue_dma source(%dma_start3A_172 : memref<96x224xf32, #tpu.memory_space<hbm>>) target(%arg9 : memref<96x224xf32, #tpu.memory_space<vmem>>) target_semaphore(%arg13 : memref<!tpu.dma_semaphore, #tpu.memory_space<semaphore_mem>>)
      } else {
      }
      %dma_wait3A_113 = arith.constant 0 : i32
      %dma_wait3A_114 = arith.constant 0 : i32
      %dma_wait3A_115 = tpu.memref_slice %arg3[%dma_wait3A_113, %dma_wait3A_114] : memref<43008x224xf32, #tpu.memory_space<hbm>> -> memref<96x224xf32, #tpu.memory_space<hbm>>
      %dma_wait3A_116 = arith.constant 0 : i32
      %dma_wait3A_117 = arith.constant 0 : i32
      %dma_wait3A_118 = tpu.memref_slice %arg3[%dma_wait3A_116, %dma_wait3A_117] : memref<43008x224xf32, #tpu.memory_space<hbm>> -> memref<96x224xf32, #tpu.memory_space<hbm>>
      tpu.wait_dma2 semaphore(%arg12 : memref<!tpu.dma_semaphore, #tpu.memory_space<semaphore_mem>>) src(%dma_wait3A_118 : memref<96x224xf32, #tpu.memory_space<hbm>>) dst(%arg8 : memref<96x224xf32, #tpu.memory_space<vmem>>)
      %ge3A = arith.constant 2 : i32
      %ge3A_119 = arith.cmpi sge, %mul3A_107, %ge3A : i32
      %convert_element_type3A_120 = arith.extui %ge3A_119 : i1 to i32
      %cond3A_121 = arith.constant 0 : i32
      %cond3A_122 = arith.cmpi ne, %convert_element_type3A_120, %cond3A_121 : i32
      scf.if %cond3A_122 {
        %dma_wait3A_164 = arith.constant 0 : i32
        %dma_wait3A_165 = arith.constant 0 : i32
        %dma_wait3A_166 = tpu.memref_slice %arg4[%dma_wait3A_164, %dma_wait3A_165] : memref<43008x224xf32, #tpu.memory_space<hbm>> -> memref<96x224xf32, #tpu.memory_space<hbm>>
        %dma_wait3A_167 = arith.constant 0 : i32
        %dma_wait3A_168 = arith.constant 0 : i32
        %dma_wait3A_169 = tpu.memref_slice %arg4[%dma_wait3A_167, %dma_wait3A_168] : memref<43008x224xf32, #tpu.memory_space<hbm>> -> memref<96x224xf32, #tpu.memory_space<hbm>>
        tpu.wait_dma2 semaphore(%arg14 : memref<!tpu.dma_semaphore, #tpu.memory_space<semaphore_mem>>) src(%arg10 : memref<96x224xf32, #tpu.memory_space<vmem>>) dst(%dma_wait3A_169 : memref<96x224xf32, #tpu.memory_space<hbm>>)
      } else {
      }
      %parallel_loop3A = arith.constant 0 : i32
      %parallel_loop3A_123 = arith.constant 96 : i32
      %parallel_loop3A_124 = arith.constant 1 : i32
      scf.for %parallel_loop3A_164 = %parallel_loop3A to %parallel_loop3A_123 step %parallel_loop3A_124  : i32 {
        %parallel_loop3A_165 = arith.index_cast %parallel_loop3A_164 : i32 to index
        %parallel_loop3A_166 = arith.constant 0 : index
        %parallel_loop3A_167 = tpu.vector_load %arg8[%parallel_loop3A_165, %parallel_loop3A_166] {strides = array<i32>} : memref<96x224xf32, #tpu.memory_space<vmem>>, vector<16xf32>,
        %parallel_loop3A_168 = arith.constant 1.000000e+01 : f32
        %parallel_loop3A_169 = vector.broadcast %parallel_loop3A_168 : f32 to vector<16xf32>
        %parallel_loop3A_170 = arith.mulf %parallel_loop3A_167, %parallel_loop3A_169 : vector<16xf32>
        %parallel_loop3A_171 = arith.constant 1.000000e+01 : f32
        %parallel_loop3A_172 = vector.broadcast %parallel_loop3A_171 : f32 to vector<16xf32>
        %parallel_loop3A_173 = arith.addf %parallel_loop3A_170, %parallel_loop3A_172 : vector<16xf32>
        %parallel_loop3A_174 = arith.fptosi %parallel_loop3A_173 : vector<16xf32> to vector<16xi32>
        %parallel_loop3A_175 = arith.sitofp %parallel_loop3A_174 : vector<16xi32> to vector<16xf32>
        %parallel_loop3A_176 = arith.subf %parallel_loop3A_173, %parallel_loop3A_175 : vector<16xf32>
        %parallel_loop3A_177 = tpu.vector_load_idx %arg6[%parallel_loop3A_174] : memref<64xf32, #tpu.memory_space<vmem>>[vector<16xi32>], vector<16xf32>,
        %parallel_loop3A_178 = tpu.vector_load_idx %arg7[%parallel_loop3A_174] : memref<64xf32, #tpu.memory_space<vmem>>[vector<16xi32>], vector<16xf32>,
        %parallel_loop3A_179 = arith.mulf %parallel_loop3A_176, %parallel_loop3A_178 : vector<16xf32>
        %parallel_loop3A_180 = arith.addf %parallel_loop3A_177, %parallel_loop3A_179 : vector<16xf32>
        %parallel_loop3A_181 = arith.index_cast %parallel_loop3A_164 : i32 to index
        %parallel_loop3A_182 = arith.constant 0 : index
        %parallel_loop3A_183 = tpu.vector_load %arg10[%parallel_loop3A_181, %parallel_loop3A_182] {strides = array<i32>} : memref<96x224xf32, #tpu.memory_space<vmem>>, vector<16xf32>,
        tpu.vector_store %arg10[%parallel_loop3A_181, %parallel_loop3A_182], %parallel_loop3A_180 {strides = array<i32>} : memref<96x224xf32, #tpu.memory_space<vmem>>, vector<16xf32>,
        %parallel_loop3A_184 = arith.index_cast %parallel_loop3A_164 : i32 to index
        %parallel_loop3A_185 = arith.constant 16 : index
        %parallel_loop3A_186 = tpu.vector_load %arg8[%parallel_loop3A_184, %parallel_loop3A_185] {strides = array<i32>} : memref<96x224xf32, #tpu.memory_space<vmem>>, vector<16xf32>,
        %parallel_loop3A_187 = arith.constant 1.000000e+01 : f32
        %parallel_loop3A_188 = vector.broadcast %parallel_loop3A_187 : f32 to vector<16xf32>
        %parallel_loop3A_189 = arith.mulf %parallel_loop3A_186, %parallel_loop3A_188 : vector<16xf32>
        %parallel_loop3A_190 = arith.constant 1.000000e+01 : f32
        %parallel_loop3A_191 = vector.broadcast %parallel_loop3A_190 : f32 to vector<16xf32>
        %parallel_loop3A_192 = arith.addf %parallel_loop3A_189, %parallel_loop3A_191 : vector<16xf32>
        %parallel_loop3A_193 = arith.fptosi %parallel_loop3A_192 : vector<16xf32> to vector<16xi32>
        %parallel_loop3A_194 = arith.sitofp %parallel_loop3A_193 : vector<16xi32> to vector<16xf32>
        %parallel_loop3A_195 = arith.subf %parallel_loop3A_192, %parallel_loop3A_194 : vector<16xf32>
        %parallel_loop3A_196 = tpu.vector_load_idx %arg6[%parallel_loop3A_193] : memref<64xf32, #tpu.memory_space<vmem>>[vector<16xi32>], vector<16xf32>,
        %parallel_loop3A_197 = tpu.vector_load_idx %arg7[%parallel_loop3A_193] : memref<64xf32, #tpu.memory_space<vmem>>[vector<16xi32>], vector<16xf32>,
        %parallel_loop3A_198 = arith.mulf %parallel_loop3A_195, %parallel_loop3A_197 : vector<16xf32>
        %parallel_loop3A_199 = arith.addf %parallel_loop3A_196, %parallel_loop3A_198 : vector<16xf32>
        %parallel_loop3A_200 = arith.index_cast %parallel_loop3A_164 : i32 to index
        %parallel_loop3A_201 = arith.constant 16 : index
        %parallel_loop3A_202 = tpu.vector_load %arg10[%parallel_loop3A_200, %parallel_loop3A_201] {strides = array<i32>} : memref<96x224xf32, #tpu.memory_space<vmem>>, vector<16xf32>,
        tpu.vector_store %arg10[%parallel_loop3A_200, %parallel_loop3A_201], %parallel_loop3A_199 {strides = array<i32>} : memref<96x224xf32, #tpu.memory_space<vmem>>, vector<16xf32>,
        %parallel_loop3A_203 = arith.index_cast %parallel_loop3A_164 : i32 to index
        %parallel_loop3A_204 = arith.constant 32 : index
        %parallel_loop3A_205 = tpu.vector_load %arg8[%parallel_loop3A_203, %parallel_loop3A_204] {strides = array<i32>} : memref<96x224xf32, #tpu.memory_space<vmem>>, vector<16xf32>,
        %parallel_loop3A_206 = arith.constant 1.000000e+01 : f32
        %parallel_loop3A_207 = vector.broadcast %parallel_loop3A_206 : f32 to vector<16xf32>
        %parallel_loop3A_208 = arith.mulf %parallel_loop3A_205, %parallel_loop3A_207 : vector<16xf32>
        %parallel_loop3A_209 = arith.constant 1.000000e+01 : f32
        %parallel_loop3A_210 = vector.broadcast %parallel_loop3A_209 : f32 to vector<16xf32>
        %parallel_loop3A_211 = arith.addf %parallel_loop3A_208, %parallel_loop3A_210 : vector<16xf32>
        %parallel_loop3A_212 = arith.fptosi %parallel_loop3A_211 : vector<16xf32> to vector<16xi32>
        %parallel_loop3A_213 = arith.sitofp %parallel_loop3A_212 : vector<16xi32> to vector<16xf32>
        %parallel_loop3A_214 = arith.subf %parallel_loop3A_211, %parallel_loop3A_213 : vector<16xf32>
        %parallel_loop3A_215 = tpu.vector_load_idx %arg6[%parallel_loop3A_212] : memref<64xf32, #tpu.memory_space<vmem>>[vector<16xi32>], vector<16xf32>,
        %parallel_loop3A_216 = tpu.vector_load_idx %arg7[%parallel_loop3A_212] : memref<64xf32, #tpu.memory_space<vmem>>[vector<16xi32>], vector<16xf32>,
        %parallel_loop3A_217 = arith.mulf %parallel_loop3A_214, %parallel_loop3A_216 : vector<16xf32>
        %parallel_loop3A_218 = arith.addf %parallel_loop3A_215, %parallel_loop3A_217 : vector<16xf32>
        %parallel_loop3A_219 = arith.index_cast %parallel_loop3A_164 : i32 to index
        %parallel_loop3A_220 = arith.constant 32 : index
        %parallel_loop3A_221 = tpu.vector_load %arg10[%parallel_loop3A_219, %parallel_loop3A_220] {strides = array<i32>} : memref<96x224xf32, #tpu.memory_space<vmem>>, vector<16xf32>,
        tpu.vector_store %arg10[%parallel_loop3A_219, %parallel_loop3A_220], %parallel_loop3A_218 {strides = array<i32>} : memref<96x224xf32, #tpu.memory_space<vmem>>, vector<16xf32>,
        %parallel_loop3A_222 = arith.index_cast %parallel_loop3A_164 : i32 to index
        %parallel_loop3A_223 = arith.constant 48 : index
        %parallel_loop3A_224 = tpu.vector_load %arg8[%parallel_loop3A_222, %parallel_loop3A_223] {strides = array<i32>} : memref<96x224xf32, #tpu.memory_space<vmem>>, vector<16xf32>,
        %parallel_loop3A_225 = arith.constant 1.000000e+01 : f32
        %parallel_loop3A_226 = vector.broadcast %parallel_loop3A_225 : f32 to vector<16xf32>
        %parallel_loop3A_227 = arith.mulf %parallel_loop3A_224, %parallel_loop3A_226 : vector<16xf32>
        %parallel_loop3A_228 = arith.constant 1.000000e+01 : f32
        %parallel_loop3A_229 = vector.broadcast %parallel_loop3A_228 : f32 to vector<16xf32>
        %parallel_loop3A_230 = arith.addf %parallel_loop3A_227, %parallel_loop3A_229 : vector<16xf32>
        %parallel_loop3A_231 = arith.fptosi %parallel_loop3A_230 : vector<16xf32> to vector<16xi32>
        %parallel_loop3A_232 = arith.sitofp %parallel_loop3A_231 : vector<16xi32> to vector<16xf32>
        %parallel_loop3A_233 = arith.subf %parallel_loop3A_230, %parallel_loop3A_232 : vector<16xf32>
        %parallel_loop3A_234 = tpu.vector_load_idx %arg6[%parallel_loop3A_231] : memref<64xf32, #tpu.memory_space<vmem>>[vector<16xi32>], vector<16xf32>,
        %parallel_loop3A_235 = tpu.vector_load_idx %arg7[%parallel_loop3A_231] : memref<64xf32, #tpu.memory_space<vmem>>[vector<16xi32>], vector<16xf32>,
        %parallel_loop3A_236 = arith.mulf %parallel_loop3A_233, %parallel_loop3A_235 : vector<16xf32>
        %parallel_loop3A_237 = arith.addf %parallel_loop3A_234, %parallel_loop3A_236 : vector<16xf32>
        %parallel_loop3A_238 = arith.index_cast %parallel_loop3A_164 : i32 to index
        %parallel_loop3A_239 = arith.constant 48 : index
        %parallel_loop3A_240 = tpu.vector_load %arg10[%parallel_loop3A_238, %parallel_loop3A_239] {strides = array<i32>} : memref<96x224xf32, #tpu.memory_space<vmem>>, vector<16xf32>,
        tpu.vector_store %arg10[%parallel_loop3A_238, %parallel_loop3A_239], %parallel_loop3A_237 {strides = array<i32>} : memref<96x224xf32, #tpu.memory_space<vmem>>, vector<16xf32>,
        %parallel_loop3A_241 = arith.index_cast %parallel_loop3A_164 : i32 to index
        %parallel_loop3A_242 = arith.constant 64 : index
        %parallel_loop3A_243 = tpu.vector_load %arg8[%parallel_loop3A_241, %parallel_loop3A_242] {strides = array<i32>} : memref<96x224xf32, #tpu.memory_space<vmem>>, vector<16xf32>,
        %parallel_loop3A_244 = arith.constant 1.000000e+01 : f32
        %parallel_loop3A_245 = vector.broadcast %parallel_loop3A_244 : f32 to vector<16xf32>
        %parallel_loop3A_246 = arith.mulf %parallel_loop3A_243, %parallel_loop3A_245 : vector<16xf32>
        %parallel_loop3A_247 = arith.constant 1.000000e+01 : f32
        %parallel_loop3A_248 = vector.broadcast %parallel_loop3A_247 : f32 to vector<16xf32>
        %parallel_loop3A_249 = arith.addf %parallel_loop3A_246, %parallel_loop3A_248 : vector<16xf32>
        %parallel_loop3A_250 = arith.fptosi %parallel_loop3A_249 : vector<16xf32> to vector<16xi32>
        %parallel_loop3A_251 = arith.sitofp %parallel_loop3A_250 : vector<16xi32> to vector<16xf32>
        %parallel_loop3A_252 = arith.subf %parallel_loop3A_249, %parallel_loop3A_251 : vector<16xf32>
        %parallel_loop3A_253 = tpu.vector_load_idx %arg6[%parallel_loop3A_250] : memref<64xf32, #tpu.memory_space<vmem>>[vector<16xi32>], vector<16xf32>,
        %parallel_loop3A_254 = tpu.vector_load_idx %arg7[%parallel_loop3A_250] : memref<64xf32, #tpu.memory_space<vmem>>[vector<16xi32>], vector<16xf32>,
        %parallel_loop3A_255 = arith.mulf %parallel_loop3A_252, %parallel_loop3A_254 : vector<16xf32>
        %parallel_loop3A_256 = arith.addf %parallel_loop3A_253, %parallel_loop3A_255 : vector<16xf32>
        %parallel_loop3A_257 = arith.index_cast %parallel_loop3A_164 : i32 to index
        %parallel_loop3A_258 = arith.constant 64 : index
        %parallel_loop3A_259 = tpu.vector_load %arg10[%parallel_loop3A_257, %parallel_loop3A_258] {strides = array<i32>} : memref<96x224xf32, #tpu.memory_space<vmem>>, vector<16xf32>,
        tpu.vector_store %arg10[%parallel_loop3A_257, %parallel_loop3A_258], %parallel_loop3A_256 {strides = array<i32>} : memref<96x224xf32, #tpu.memory_space<vmem>>, vector<16xf32>,
        %parallel_loop3A_260 = arith.index_cast %parallel_loop3A_164 : i32 to index
        %parallel_loop3A_261 = arith.constant 80 : index
        %parallel_loop3A_262 = tpu.vector_load %arg8[%parallel_loop3A_260, %parallel_loop3A_261] {strides = array<i32>} : memref<96x224xf32, #tpu.memory_space<vmem>>, vector<16xf32>,
        %parallel_loop3A_263 = arith.constant 1.000000e+01 : f32
        %parallel_loop3A_264 = vector.broadcast %parallel_loop3A_263 : f32 to vector<16xf32>
        %parallel_loop3A_265 = arith.mulf %parallel_loop3A_262, %parallel_loop3A_264 : vector<16xf32>
        %parallel_loop3A_266 = arith.constant 1.000000e+01 : f32
        %parallel_loop3A_267 = vector.broadcast %parallel_loop3A_266 : f32 to vector<16xf32>
        %parallel_loop3A_268 = arith.addf %parallel_loop3A_265, %parallel_loop3A_267 : vector<16xf32>
        %parallel_loop3A_269 = arith.fptosi %parallel_loop3A_268 : vector<16xf32> to vector<16xi32>
        %parallel_loop3A_270 = arith.sitofp %parallel_loop3A_269 : vector<16xi32> to vector<16xf32>
        %parallel_loop3A_271 = arith.subf %parallel_loop3A_268, %parallel_loop3A_270 : vector<16xf32>
        %parallel_loop3A_272 = tpu.vector_load_idx %arg6[%parallel_loop3A_269] : memref<64xf32, #tpu.memory_space<vmem>>[vector<16xi32>], vector<16xf32>,
        %parallel_loop3A_273 = tpu.vector_load_idx %arg7[%parallel_loop3A_269] : memref<64xf32, #tpu.memory_space<vmem>>[vector<16xi32>], vector<16xf32>,
        %parallel_loop3A_274 = arith.mulf %parallel_loop3A_271, %parallel_loop3A_273 : vector<16xf32>
        %parallel_loop3A_275 = arith.addf %parallel_loop3A_272, %parallel_loop3A_274 : vector<16xf32>
        %parallel_loop3A_276 = arith.index_cast %parallel_loop3A_164 : i32 to index
        %parallel_loop3A_277 = arith.constant 80 : index
        %parallel_loop3A_278 = tpu.vector_load %arg10[%parallel_loop3A_276, %parallel_loop3A_277] {strides = array<i32>} : memref<96x224xf32, #tpu.memory_space<vmem>>, vector<16xf32>,
        tpu.vector_store %arg10[%parallel_loop3A_276, %parallel_loop3A_277], %parallel_loop3A_275 {strides = array<i32>} : memref<96x224xf32, #tpu.memory_space<vmem>>, vector<16xf32>,
        %parallel_loop3A_279 = arith.index_cast %parallel_loop3A_164 : i32 to index
        %parallel_loop3A_280 = arith.constant 96 : index
        %parallel_loop3A_281 = tpu.vector_load %arg8[%parallel_loop3A_279, %parallel_loop3A_280] {strides = array<i32>} : memref<96x224xf32, #tpu.memory_space<vmem>>, vector<16xf32>,
        %parallel_loop3A_282 = arith.constant 1.000000e+01 : f32
        %parallel_loop3A_283 = vector.broadcast %parallel_loop3A_282 : f32 to vector<16xf32>
        %parallel_loop3A_284 = arith.mulf %parallel_loop3A_281, %parallel_loop3A_283 : vector<16xf32>
        %parallel_loop3A_285 = arith.constant 1.000000e+01 : f32
        %parallel_loop3A_286 = vector.broadcast %parallel_loop3A_285 : f32 to vector<16xf32>
        %parallel_loop3A_287 = arith.addf %parallel_loop3A_284, %parallel_loop3A_286 : vector<16xf32>
        %parallel_loop3A_288 = arith.fptosi %parallel_loop3A_287 : vector<16xf32> to vector<16xi32>
        %parallel_loop3A_289 = arith.sitofp %parallel_loop3A_288 : vector<16xi32> to vector<16xf32>
        %parallel_loop3A_290 = arith.subf %parallel_loop3A_287, %parallel_loop3A_289 : vector<16xf32>
        %parallel_loop3A_291 = tpu.vector_load_idx %arg6[%parallel_loop3A_288] : memref<64xf32, #tpu.memory_space<vmem>>[vector<16xi32>], vector<16xf32>,
        %parallel_loop3A_292 = tpu.vector_load_idx %arg7[%parallel_loop3A_288] : memref<64xf32, #tpu.memory_space<vmem>>[vector<16xi32>], vector<16xf32>,
        %parallel_loop3A_293 = arith.mulf %parallel_loop3A_290, %parallel_loop3A_292 : vector<16xf32>
        %parallel_loop3A_294 = arith.addf %parallel_loop3A_291, %parallel_loop3A_293 : vector<16xf32>
        %parallel_loop3A_295 = arith.index_cast %parallel_loop3A_164 : i32 to index
        %parallel_loop3A_296 = arith.constant 96 : index
        %parallel_loop3A_297 = tpu.vector_load %arg10[%parallel_loop3A_295, %parallel_loop3A_296] {strides = array<i32>} : memref<96x224xf32, #tpu.memory_space<vmem>>, vector<16xf32>,
        tpu.vector_store %arg10[%parallel_loop3A_295, %parallel_loop3A_296], %parallel_loop3A_294 {strides = array<i32>} : memref<96x224xf32, #tpu.memory_space<vmem>>, vector<16xf32>,
        %parallel_loop3A_298 = arith.index_cast %parallel_loop3A_164 : i32 to index
        %parallel_loop3A_299 = arith.constant 112 : index
        %parallel_loop3A_300 = tpu.vector_load %arg8[%parallel_loop3A_298, %parallel_loop3A_299] {strides = array<i32>} : memref<96x224xf32, #tpu.memory_space<vmem>>, vector<16xf32>,
        %parallel_loop3A_301 = arith.constant 1.000000e+01 : f32
        %parallel_loop3A_302 = vector.broadcast %parallel_loop3A_301 : f32 to vector<16xf32>
        %parallel_loop3A_303 = arith.mulf %parallel_loop3A_300, %parallel_loop3A_302 : vector<16xf32>
        %parallel_loop3A_304 = arith.constant 1.000000e+01 : f32
        %parallel_loop3A_305 = vector.broadcast %parallel_loop3A_304 : f32 to vector<16xf32>
        %parallel_loop3A_306 = arith.addf %parallel_loop3A_303, %parallel_loop3A_305 : vector<16xf32>
        %parallel_loop3A_307 = arith.fptosi %parallel_loop3A_306 : vector<16xf32> to vector<16xi32>
        %parallel_loop3A_308 = arith.sitofp %parallel_loop3A_307 : vector<16xi32> to vector<16xf32>
        %parallel_loop3A_309 = arith.subf %parallel_loop3A_306, %parallel_loop3A_308 : vector<16xf32>
        %parallel_loop3A_310 = tpu.vector_load_idx %arg6[%parallel_loop3A_307] : memref<64xf32, #tpu.memory_space<vmem>>[vector<16xi32>], vector<16xf32>,
        %parallel_loop3A_311 = tpu.vector_load_idx %arg7[%parallel_loop3A_307] : memref<64xf32, #tpu.memory_space<vmem>>[vector<16xi32>], vector<16xf32>,
        %parallel_loop3A_312 = arith.mulf %parallel_loop3A_309, %parallel_loop3A_311 : vector<16xf32>
        %parallel_loop3A_313 = arith.addf %parallel_loop3A_310, %parallel_loop3A_312 : vector<16xf32>
        %parallel_loop3A_314 = arith.index_cast %parallel_loop3A_164 : i32 to index
        %parallel_loop3A_315 = arith.constant 112 : index
        %parallel_loop3A_316 = tpu.vector_load %arg10[%parallel_loop3A_314, %parallel_loop3A_315] {strides = array<i32>} : memref<96x224xf32, #tpu.memory_space<vmem>>, vector<16xf32>,
        tpu.vector_store %arg10[%parallel_loop3A_314, %parallel_loop3A_315], %parallel_loop3A_313 {strides = array<i32>} : memref<96x224xf32, #tpu.memory_space<vmem>>, vector<16xf32>,
        %parallel_loop3A_317 = arith.index_cast %parallel_loop3A_164 : i32 to index
        %parallel_loop3A_318 = arith.constant 128 : index
        %parallel_loop3A_319 = tpu.vector_load %arg8[%parallel_loop3A_317, %parallel_loop3A_318] {strides = array<i32>} : memref<96x224xf32, #tpu.memory_space<vmem>>, vector<16xf32>,
        %parallel_loop3A_320 = arith.constant 1.000000e+01 : f32
        %parallel_loop3A_321 = vector.broadcast %parallel_loop3A_320 : f32 to vector<16xf32>
        %parallel_loop3A_322 = arith.mulf %parallel_loop3A_319, %parallel_loop3A_321 : vector<16xf32>
        %parallel_loop3A_323 = arith.constant 1.000000e+01 : f32
        %parallel_loop3A_324 = vector.broadcast %parallel_loop3A_323 : f32 to vector<16xf32>
        %parallel_loop3A_325 = arith.addf %parallel_loop3A_322, %parallel_loop3A_324 : vector<16xf32>
        %parallel_loop3A_326 = arith.fptosi %parallel_loop3A_325 : vector<16xf32> to vector<16xi32>
        %parallel_loop3A_327 = arith.sitofp %parallel_loop3A_326 : vector<16xi32> to vector<16xf32>
        %parallel_loop3A_328 = arith.subf %parallel_loop3A_325, %parallel_loop3A_327 : vector<16xf32>
        %parallel_loop3A_329 = tpu.vector_load_idx %arg6[%parallel_loop3A_326] : memref<64xf32, #tpu.memory_space<vmem>>[vector<16xi32>], vector<16xf32>,
        %parallel_loop3A_330 = tpu.vector_load_idx %arg7[%parallel_loop3A_326] : memref<64xf32, #tpu.memory_space<vmem>>[vector<16xi32>], vector<16xf32>,
        %parallel_loop3A_331 = arith.mulf %parallel_loop3A_328, %parallel_loop3A_330 : vector<16xf32>
        %parallel_loop3A_332 = arith.addf %parallel_loop3A_329, %parallel_loop3A_331 : vector<16xf32>
        %parallel_loop3A_333 = arith.index_cast %parallel_loop3A_164 : i32 to index
        %parallel_loop3A_334 = arith.constant 128 : index
        %parallel_loop3A_335 = tpu.vector_load %arg10[%parallel_loop3A_333, %parallel_loop3A_334] {strides = array<i32>} : memref<96x224xf32, #tpu.memory_space<vmem>>, vector<16xf32>,
        tpu.vector_store %arg10[%parallel_loop3A_333, %parallel_loop3A_334], %parallel_loop3A_332 {strides = array<i32>} : memref<96x224xf32, #tpu.memory_space<vmem>>, vector<16xf32>,
        %parallel_loop3A_336 = arith.index_cast %parallel_loop3A_164 : i32 to index
        %parallel_loop3A_337 = arith.constant 144 : index
        %parallel_loop3A_338 = tpu.vector_load %arg8[%parallel_loop3A_336, %parallel_loop3A_337] {strides = array<i32>} : memref<96x224xf32, #tpu.memory_space<vmem>>, vector<16xf32>,
        %parallel_loop3A_339 = arith.constant 1.000000e+01 : f32
        %parallel_loop3A_340 = vector.broadcast %parallel_loop3A_339 : f32 to vector<16xf32>
        %parallel_loop3A_341 = arith.mulf %parallel_loop3A_338, %parallel_loop3A_340 : vector<16xf32>
        %parallel_loop3A_342 = arith.constant 1.000000e+01 : f32
        %parallel_loop3A_343 = vector.broadcast %parallel_loop3A_342 : f32 to vector<16xf32>
        %parallel_loop3A_344 = arith.addf %parallel_loop3A_341, %parallel_loop3A_343 : vector<16xf32>
        %parallel_loop3A_345 = arith.fptosi %parallel_loop3A_344 : vector<16xf32> to vector<16xi32>
        %parallel_loop3A_346 = arith.sitofp %parallel_loop3A_345 : vector<16xi32> to vector<16xf32>
        %parallel_loop3A_347 = arith.subf %parallel_loop3A_344, %parallel_loop3A_346 : vector<16xf32>
        %parallel_loop3A_348 = tpu.vector_load_idx %arg6[%parallel_loop3A_345] : memref<64xf32, #tpu.memory_space<vmem>>[vector<16xi32>], vector<16xf32>,
        %parallel_loop3A_349 = tpu.vector_load_idx %arg7[%parallel_loop3A_345] : memref<64xf32, #tpu.memory_space<vmem>>[vector<16xi32>], vector<16xf32>,
        %parallel_loop3A_350 = arith.mulf %parallel_loop3A_347, %parallel_loop3A_349 : vector<16xf32>
        %parallel_loop3A_351 = arith.addf %parallel_loop3A_348, %parallel_loop3A_350 : vector<16xf32>
        %parallel_loop3A_352 = arith.index_cast %parallel_loop3A_164 : i32 to index
        %parallel_loop3A_353 = arith.constant 144 : index
        %parallel_loop3A_354 = tpu.vector_load %arg10[%parallel_loop3A_352, %parallel_loop3A_353] {strides = array<i32>} : memref<96x224xf32, #tpu.memory_space<vmem>>, vector<16xf32>,
        tpu.vector_store %arg10[%parallel_loop3A_352, %parallel_loop3A_353], %parallel_loop3A_351 {strides = array<i32>} : memref<96x224xf32, #tpu.memory_space<vmem>>, vector<16xf32>,
        %parallel_loop3A_355 = arith.index_cast %parallel_loop3A_164 : i32 to index
        %parallel_loop3A_356 = arith.constant 160 : index
        %parallel_loop3A_357 = tpu.vector_load %arg8[%parallel_loop3A_355, %parallel_loop3A_356] {strides = array<i32>} : memref<96x224xf32, #tpu.memory_space<vmem>>, vector<16xf32>,
        %parallel_loop3A_358 = arith.constant 1.000000e+01 : f32
        %parallel_loop3A_359 = vector.broadcast %parallel_loop3A_358 : f32 to vector<16xf32>
        %parallel_loop3A_360 = arith.mulf %parallel_loop3A_357, %parallel_loop3A_359 : vector<16xf32>
        %parallel_loop3A_361 = arith.constant 1.000000e+01 : f32
        %parallel_loop3A_362 = vector.broadcast %parallel_loop3A_361 : f32 to vector<16xf32>
        %parallel_loop3A_363 = arith.addf %parallel_loop3A_360, %parallel_loop3A_362 : vector<16xf32>
        %parallel_loop3A_364 = arith.fptosi %parallel_loop3A_363 : vector<16xf32> to vector<16xi32>
        %parallel_loop3A_365 = arith.sitofp %parallel_loop3A_364 : vector<16xi32> to vector<16xf32>
        %parallel_loop3A_366 = arith.subf %parallel_loop3A_363, %parallel_loop3A_365 : vector<16xf32>
        %parallel_loop3A_367 = tpu.vector_load_idx %arg6[%parallel_loop3A_364] : memref<64xf32, #tpu.memory_space<vmem>>[vector<16xi32>], vector<16xf32>,
        %parallel_loop3A_368 = tpu.vector_load_idx %arg7[%parallel_loop3A_364] : memref<64xf32, #tpu.memory_space<vmem>>[vector<16xi32>], vector<16xf32>,
        %parallel_loop3A_369 = arith.mulf %parallel_loop3A_366, %parallel_loop3A_368 : vector<16xf32>
        %parallel_loop3A_370 = arith.addf %parallel_loop3A_367, %parallel_loop3A_369 : vector<16xf32>
        %parallel_loop3A_371 = arith.index_cast %parallel_loop3A_164 : i32 to index
        %parallel_loop3A_372 = arith.constant 160 : index
        %parallel_loop3A_373 = tpu.vector_load %arg10[%parallel_loop3A_371, %parallel_loop3A_372] {strides = array<i32>} : memref<96x224xf32, #tpu.memory_space<vmem>>, vector<16xf32>,
        tpu.vector_store %arg10[%parallel_loop3A_371, %parallel_loop3A_372], %parallel_loop3A_370 {strides = array<i32>} : memref<96x224xf32, #tpu.memory_space<vmem>>, vector<16xf32>,
        %parallel_loop3A_374 = arith.index_cast %parallel_loop3A_164 : i32 to index
        %parallel_loop3A_375 = arith.constant 176 : index
        %parallel_loop3A_376 = tpu.vector_load %arg8[%parallel_loop3A_374, %parallel_loop3A_375] {strides = array<i32>} : memref<96x224xf32, #tpu.memory_space<vmem>>, vector<16xf32>,
        %parallel_loop3A_377 = arith.constant 1.000000e+01 : f32
        %parallel_loop3A_378 = vector.broadcast %parallel_loop3A_377 : f32 to vector<16xf32>
        %parallel_loop3A_379 = arith.mulf %parallel_loop3A_376, %parallel_loop3A_378 : vector<16xf32>
        %parallel_loop3A_380 = arith.constant 1.000000e+01 : f32
        %parallel_loop3A_381 = vector.broadcast %parallel_loop3A_380 : f32 to vector<16xf32>
        %parallel_loop3A_382 = arith.addf %parallel_loop3A_379, %parallel_loop3A_381 : vector<16xf32>
        %parallel_loop3A_383 = arith.fptosi %parallel_loop3A_382 : vector<16xf32> to vector<16xi32>
        %parallel_loop3A_384 = arith.sitofp %parallel_loop3A_383 : vector<16xi32> to vector<16xf32>
        %parallel_loop3A_385 = arith.subf %parallel_loop3A_382, %parallel_loop3A_384 : vector<16xf32>
        %parallel_loop3A_386 = tpu.vector_load_idx %arg6[%parallel_loop3A_383] : memref<64xf32, #tpu.memory_space<vmem>>[vector<16xi32>], vector<16xf32>,
        %parallel_loop3A_387 = tpu.vector_load_idx %arg7[%parallel_loop3A_383] : memref<64xf32, #tpu.memory_space<vmem>>[vector<16xi32>], vector<16xf32>,
        %parallel_loop3A_388 = arith.mulf %parallel_loop3A_385, %parallel_loop3A_387 : vector<16xf32>
        %parallel_loop3A_389 = arith.addf %parallel_loop3A_386, %parallel_loop3A_388 : vector<16xf32>
        %parallel_loop3A_390 = arith.index_cast %parallel_loop3A_164 : i32 to index
        %parallel_loop3A_391 = arith.constant 176 : index
        %parallel_loop3A_392 = tpu.vector_load %arg10[%parallel_loop3A_390, %parallel_loop3A_391] {strides = array<i32>} : memref<96x224xf32, #tpu.memory_space<vmem>>, vector<16xf32>,
        tpu.vector_store %arg10[%parallel_loop3A_390, %parallel_loop3A_391], %parallel_loop3A_389 {strides = array<i32>} : memref<96x224xf32, #tpu.memory_space<vmem>>, vector<16xf32>,
        %parallel_loop3A_393 = arith.index_cast %parallel_loop3A_164 : i32 to index
        %parallel_loop3A_394 = arith.constant 192 : index
        %parallel_loop3A_395 = tpu.vector_load %arg8[%parallel_loop3A_393, %parallel_loop3A_394] {strides = array<i32>} : memref<96x224xf32, #tpu.memory_space<vmem>>, vector<16xf32>,
        %parallel_loop3A_396 = arith.constant 1.000000e+01 : f32
        %parallel_loop3A_397 = vector.broadcast %parallel_loop3A_396 : f32 to vector<16xf32>
        %parallel_loop3A_398 = arith.mulf %parallel_loop3A_395, %parallel_loop3A_397 : vector<16xf32>
        %parallel_loop3A_399 = arith.constant 1.000000e+01 : f32
        %parallel_loop3A_400 = vector.broadcast %parallel_loop3A_399 : f32 to vector<16xf32>
        %parallel_loop3A_401 = arith.addf %parallel_loop3A_398, %parallel_loop3A_400 : vector<16xf32>
        %parallel_loop3A_402 = arith.fptosi %parallel_loop3A_401 : vector<16xf32> to vector<16xi32>
        %parallel_loop3A_403 = arith.sitofp %parallel_loop3A_402 : vector<16xi32> to vector<16xf32>
        %parallel_loop3A_404 = arith.subf %parallel_loop3A_401, %parallel_loop3A_403 : vector<16xf32>
        %parallel_loop3A_405 = tpu.vector_load_idx %arg6[%parallel_loop3A_402] : memref<64xf32, #tpu.memory_space<vmem>>[vector<16xi32>], vector<16xf32>,
        %parallel_loop3A_406 = tpu.vector_load_idx %arg7[%parallel_loop3A_402] : memref<64xf32, #tpu.memory_space<vmem>>[vector<16xi32>], vector<16xf32>,
        %parallel_loop3A_407 = arith.mulf %parallel_loop3A_404, %parallel_loop3A_406 : vector<16xf32>
        %parallel_loop3A_408 = arith.addf %parallel_loop3A_405, %parallel_loop3A_407 : vector<16xf32>
        %parallel_loop3A_409 = arith.index_cast %parallel_loop3A_164 : i32 to index
        %parallel_loop3A_410 = arith.constant 192 : index
        %parallel_loop3A_411 = tpu.vector_load %arg10[%parallel_loop3A_409, %parallel_loop3A_410] {strides = array<i32>} : memref<96x224xf32, #tpu.memory_space<vmem>>, vector<16xf32>,
        tpu.vector_store %arg10[%parallel_loop3A_409, %parallel_loop3A_410], %parallel_loop3A_408 {strides = array<i32>} : memref<96x224xf32, #tpu.memory_space<vmem>>, vector<16xf32>,
        %parallel_loop3A_412 = arith.index_cast %parallel_loop3A_164 : i32 to index
        %parallel_loop3A_413 = arith.constant 208 : index
        %parallel_loop3A_414 = tpu.vector_load %arg8[%parallel_loop3A_412, %parallel_loop3A_413] {strides = array<i32>} : memref<96x224xf32, #tpu.memory_space<vmem>>, vector<16xf32>,
        %parallel_loop3A_415 = arith.constant 1.000000e+01 : f32
        %parallel_loop3A_416 = vector.broadcast %parallel_loop3A_415 : f32 to vector<16xf32>
        %parallel_loop3A_417 = arith.mulf %parallel_loop3A_414, %parallel_loop3A_416 : vector<16xf32>
        %parallel_loop3A_418 = arith.constant 1.000000e+01 : f32
        %parallel_loop3A_419 = vector.broadcast %parallel_loop3A_418 : f32 to vector<16xf32>
        %parallel_loop3A_420 = arith.addf %parallel_loop3A_417, %parallel_loop3A_419 : vector<16xf32>
        %parallel_loop3A_421 = arith.fptosi %parallel_loop3A_420 : vector<16xf32> to vector<16xi32>
        %parallel_loop3A_422 = arith.sitofp %parallel_loop3A_421 : vector<16xi32> to vector<16xf32>
        %parallel_loop3A_423 = arith.subf %parallel_loop3A_420, %parallel_loop3A_422 : vector<16xf32>
        %parallel_loop3A_424 = tpu.vector_load_idx %arg6[%parallel_loop3A_421] : memref<64xf32, #tpu.memory_space<vmem>>[vector<16xi32>], vector<16xf32>,
        %parallel_loop3A_425 = tpu.vector_load_idx %arg7[%parallel_loop3A_421] : memref<64xf32, #tpu.memory_space<vmem>>[vector<16xi32>], vector<16xf32>,
        %parallel_loop3A_426 = arith.mulf %parallel_loop3A_423, %parallel_loop3A_425 : vector<16xf32>
        %parallel_loop3A_427 = arith.addf %parallel_loop3A_424, %parallel_loop3A_426 : vector<16xf32>
        %parallel_loop3A_428 = arith.index_cast %parallel_loop3A_164 : i32 to index
        %parallel_loop3A_429 = arith.constant 208 : index
        %parallel_loop3A_430 = tpu.vector_load %arg10[%parallel_loop3A_428, %parallel_loop3A_429] {strides = array<i32>} : memref<96x224xf32, #tpu.memory_space<vmem>>, vector<16xf32>,
        tpu.vector_store %arg10[%parallel_loop3A_428, %parallel_loop3A_429], %parallel_loop3A_427 {strides = array<i32>} : memref<96x224xf32, #tpu.memory_space<vmem>>, vector<16xf32>,
      } {sc.loop_unroll_factor = 1 : i64, sc.parallel_access}
      %mul3A_125 = arith.constant 96 : i32
      %mul3A_126 = arith.muli %mul3A_107, %mul3A_125 : i32
      %add3A_127 = arith.addi %mul3A_2, %mul3A_126 : i32
      %dma_start3A_128 = arith.constant 0 : i32
      %dma_start3A_129 = tpu.memref_slice %arg4[%add3A_127, %dma_start3A_128] : memref<43008x224xf32, #tpu.memory_space<hbm>> -> memref<96x224xf32, #tpu.memory_space<hbm>>
      %dma_start3A_130 = arith.constant 0 : i32
      %dma_start3A_131 = tpu.memref_slice %arg4[%add3A_127, %dma_start3A_130] : memref<43008x224xf32, #tpu.memory_space<hbm>> -> memref<96x224xf32, #tpu.memory_space<hbm>>
      tpu.enqueue_dma source(%arg10 : memref<96x224xf32, #tpu.memory_space<vmem>>) target(%dma_start3A_131 : memref<96x224xf32, #tpu.memory_space<hbm>>) target_semaphore(%arg14 : memref<!tpu.dma_semaphore, #tpu.memory_space<semaphore_mem>>)
      %mul3A_132 = arith.constant 2 : i32
      %mul3A_133 = arith.muli %mul3A_132, %scan3A_105 : i32
      %add3A_134 = arith.constant 1 : i32
      %add3A_135 = arith.addi %mul3A_133, %add3A_134 : i32
      %add3A_136 = arith.constant 1 : i32
      %add3A_137 = arith.addi %add3A_135, %add3A_136 : i32
      %lt3A_138 = arith.constant 14 : i32
      %lt3A_139 = arith.cmpi slt, %add3A_137, %lt3A_138 : i32
      %convert_element_type3A_140 = arith.extui %lt3A_139 : i1 to i32
      %cond3A_141 = arith.constant 0 : i32
      %cond3A_142 = arith.cmpi ne, %convert_element_type3A_140, %cond3A_141 : i32
      scf.if %cond3A_142 {
        %add3A_164 = arith.constant 1 : i32
        %add3A_165 = arith.addi %add3A_135, %add3A_164 : i32
        %mul3A_166 = arith.constant 96 : i32
        %mul3A_167 = arith.muli %add3A_165, %mul3A_166 : i32
        %add3A_168 = arith.addi %mul3A_2, %mul3A_167 : i32
        %dma_start3A_169 = arith.constant 0 : i32
        %dma_start3A_170 = tpu.memref_slice %arg3[%add3A_168, %dma_start3A_169] : memref<43008x224xf32, #tpu.memory_space<hbm>> -> memref<96x224xf32, #tpu.memory_space<hbm>>
        %dma_start3A_171 = arith.constant 0 : i32
        %dma_start3A_172 = tpu.memref_slice %arg3[%add3A_168, %dma_start3A_171] : memref<43008x224xf32, #tpu.memory_space<hbm>> -> memref<96x224xf32, #tpu.memory_space<hbm>>
        tpu.enqueue_dma source(%dma_start3A_172 : memref<96x224xf32, #tpu.memory_space<hbm>>) target(%arg8 : memref<96x224xf32, #tpu.memory_space<vmem>>) target_semaphore(%arg12 : memref<!tpu.dma_semaphore, #tpu.memory_space<semaphore_mem>>)
      } else {
      }
      %dma_wait3A_143 = arith.constant 0 : i32
      %dma_wait3A_144 = arith.constant 0 : i32
      %dma_wait3A_145 = tpu.memref_slice %arg3[%dma_wait3A_143, %dma_wait3A_144] : memref<43008x224xf32, #tpu.memory_space<hbm>> -> memref<96x224xf32, #tpu.memory_space<hbm>>
      %dma_wait3A_146 = arith.constant 0 : i32
      %dma_wait3A_147 = arith.constant 0 : i32
      %dma_wait3A_148 = tpu.memref_slice %arg3[%dma_wait3A_146, %dma_wait3A_147] : memref<43008x224xf32, #tpu.memory_space<hbm>> -> memref<96x224xf32, #tpu.memory_space<hbm>>
      tpu.wait_dma2 semaphore(%arg13 : memref<!tpu.dma_semaphore, #tpu.memory_space<semaphore_mem>>) src(%dma_wait3A_148 : memref<96x224xf32, #tpu.memory_space<hbm>>) dst(%arg9 : memref<96x224xf32, #tpu.memory_space<vmem>>)
      %ge3A_149 = arith.constant 2 : i32
      %ge3A_150 = arith.cmpi sge, %add3A_135, %ge3A_149 : i32
      %convert_element_type3A_151 = arith.extui %ge3A_150 : i1 to i32
      %cond3A_152 = arith.constant 0 : i32
      %cond3A_153 = arith.cmpi ne, %convert_element_type3A_151, %cond3A_152 : i32
      scf.if %cond3A_153 {
        %dma_wait3A_164 = arith.constant 0 : i32
        %dma_wait3A_165 = arith.constant 0 : i32
        %dma_wait3A_166 = tpu.memref_slice %arg4[%dma_wait3A_164, %dma_wait3A_165] : memref<43008x224xf32, #tpu.memory_space<hbm>> -> memref<96x224xf32, #tpu.memory_space<hbm>>
        %dma_wait3A_167 = arith.constant 0 : i32
        %dma_wait3A_168 = arith.constant 0 : i32
        %dma_wait3A_169 = tpu.memref_slice %arg4[%dma_wait3A_167, %dma_wait3A_168] : memref<43008x224xf32, #tpu.memory_space<hbm>> -> memref<96x224xf32, #tpu.memory_space<hbm>>
        tpu.wait_dma2 semaphore(%arg15 : memref<!tpu.dma_semaphore, #tpu.memory_space<semaphore_mem>>) src(%arg11 : memref<96x224xf32, #tpu.memory_space<vmem>>) dst(%dma_wait3A_169 : memref<96x224xf32, #tpu.memory_space<hbm>>)
      } else {
      }
      %parallel_loop3A_154 = arith.constant 0 : i32
      %parallel_loop3A_155 = arith.constant 96 : i32
      %parallel_loop3A_156 = arith.constant 1 : i32
      scf.for %parallel_loop3A_164 = %parallel_loop3A_154 to %parallel_loop3A_155 step %parallel_loop3A_156  : i32 {
        %parallel_loop3A_165 = arith.index_cast %parallel_loop3A_164 : i32 to index
        %parallel_loop3A_166 = arith.constant 0 : index
        %parallel_loop3A_167 = tpu.vector_load %arg9[%parallel_loop3A_165, %parallel_loop3A_166] {strides = array<i32>} : memref<96x224xf32, #tpu.memory_space<vmem>>, vector<16xf32>,
        %parallel_loop3A_168 = arith.constant 1.000000e+01 : f32
        %parallel_loop3A_169 = vector.broadcast %parallel_loop3A_168 : f32 to vector<16xf32>
        %parallel_loop3A_170 = arith.mulf %parallel_loop3A_167, %parallel_loop3A_169 : vector<16xf32>
        %parallel_loop3A_171 = arith.constant 1.000000e+01 : f32
        %parallel_loop3A_172 = vector.broadcast %parallel_loop3A_171 : f32 to vector<16xf32>
        %parallel_loop3A_173 = arith.addf %parallel_loop3A_170, %parallel_loop3A_172 : vector<16xf32>
        %parallel_loop3A_174 = arith.fptosi %parallel_loop3A_173 : vector<16xf32> to vector<16xi32>
        %parallel_loop3A_175 = arith.sitofp %parallel_loop3A_174 : vector<16xi32> to vector<16xf32>
        %parallel_loop3A_176 = arith.subf %parallel_loop3A_173, %parallel_loop3A_175 : vector<16xf32>
        %parallel_loop3A_177 = tpu.vector_load_idx %arg6[%parallel_loop3A_174] : memref<64xf32, #tpu.memory_space<vmem>>[vector<16xi32>], vector<16xf32>,
        %parallel_loop3A_178 = tpu.vector_load_idx %arg7[%parallel_loop3A_174] : memref<64xf32, #tpu.memory_space<vmem>>[vector<16xi32>], vector<16xf32>,
        %parallel_loop3A_179 = arith.mulf %parallel_loop3A_176, %parallel_loop3A_178 : vector<16xf32>
        %parallel_loop3A_180 = arith.addf %parallel_loop3A_177, %parallel_loop3A_179 : vector<16xf32>
        %parallel_loop3A_181 = arith.index_cast %parallel_loop3A_164 : i32 to index
        %parallel_loop3A_182 = arith.constant 0 : index
        %parallel_loop3A_183 = tpu.vector_load %arg11[%parallel_loop3A_181, %parallel_loop3A_182] {strides = array<i32>} : memref<96x224xf32, #tpu.memory_space<vmem>>, vector<16xf32>,
        tpu.vector_store %arg11[%parallel_loop3A_181, %parallel_loop3A_182], %parallel_loop3A_180 {strides = array<i32>} : memref<96x224xf32, #tpu.memory_space<vmem>>, vector<16xf32>,
        %parallel_loop3A_184 = arith.index_cast %parallel_loop3A_164 : i32 to index
        %parallel_loop3A_185 = arith.constant 16 : index
        %parallel_loop3A_186 = tpu.vector_load %arg9[%parallel_loop3A_184, %parallel_loop3A_185] {strides = array<i32>} : memref<96x224xf32, #tpu.memory_space<vmem>>, vector<16xf32>,
        %parallel_loop3A_187 = arith.constant 1.000000e+01 : f32
        %parallel_loop3A_188 = vector.broadcast %parallel_loop3A_187 : f32 to vector<16xf32>
        %parallel_loop3A_189 = arith.mulf %parallel_loop3A_186, %parallel_loop3A_188 : vector<16xf32>
        %parallel_loop3A_190 = arith.constant 1.000000e+01 : f32
        %parallel_loop3A_191 = vector.broadcast %parallel_loop3A_190 : f32 to vector<16xf32>
        %parallel_loop3A_192 = arith.addf %parallel_loop3A_189, %parallel_loop3A_191 : vector<16xf32>
        %parallel_loop3A_193 = arith.fptosi %parallel_loop3A_192 : vector<16xf32> to vector<16xi32>
        %parallel_loop3A_194 = arith.sitofp %parallel_loop3A_193 : vector<16xi32> to vector<16xf32>
        %parallel_loop3A_195 = arith.subf %parallel_loop3A_192, %parallel_loop3A_194 : vector<16xf32>
        %parallel_loop3A_196 = tpu.vector_load_idx %arg6[%parallel_loop3A_193] : memref<64xf32, #tpu.memory_space<vmem>>[vector<16xi32>], vector<16xf32>,
        %parallel_loop3A_197 = tpu.vector_load_idx %arg7[%parallel_loop3A_193] : memref<64xf32, #tpu.memory_space<vmem>>[vector<16xi32>], vector<16xf32>,
        %parallel_loop3A_198 = arith.mulf %parallel_loop3A_195, %parallel_loop3A_197 : vector<16xf32>
        %parallel_loop3A_199 = arith.addf %parallel_loop3A_196, %parallel_loop3A_198 : vector<16xf32>
        %parallel_loop3A_200 = arith.index_cast %parallel_loop3A_164 : i32 to index
        %parallel_loop3A_201 = arith.constant 16 : index
        %parallel_loop3A_202 = tpu.vector_load %arg11[%parallel_loop3A_200, %parallel_loop3A_201] {strides = array<i32>} : memref<96x224xf32, #tpu.memory_space<vmem>>, vector<16xf32>,
        tpu.vector_store %arg11[%parallel_loop3A_200, %parallel_loop3A_201], %parallel_loop3A_199 {strides = array<i32>} : memref<96x224xf32, #tpu.memory_space<vmem>>, vector<16xf32>,
        %parallel_loop3A_203 = arith.index_cast %parallel_loop3A_164 : i32 to index
        %parallel_loop3A_204 = arith.constant 32 : index
        %parallel_loop3A_205 = tpu.vector_load %arg9[%parallel_loop3A_203, %parallel_loop3A_204] {strides = array<i32>} : memref<96x224xf32, #tpu.memory_space<vmem>>, vector<16xf32>,
        %parallel_loop3A_206 = arith.constant 1.000000e+01 : f32
        %parallel_loop3A_207 = vector.broadcast %parallel_loop3A_206 : f32 to vector<16xf32>
        %parallel_loop3A_208 = arith.mulf %parallel_loop3A_205, %parallel_loop3A_207 : vector<16xf32>
        %parallel_loop3A_209 = arith.constant 1.000000e+01 : f32
        %parallel_loop3A_210 = vector.broadcast %parallel_loop3A_209 : f32 to vector<16xf32>
        %parallel_loop3A_211 = arith.addf %parallel_loop3A_208, %parallel_loop3A_210 : vector<16xf32>
        %parallel_loop3A_212 = arith.fptosi %parallel_loop3A_211 : vector<16xf32> to vector<16xi32>
        %parallel_loop3A_213 = arith.sitofp %parallel_loop3A_212 : vector<16xi32> to vector<16xf32>
        %parallel_loop3A_214 = arith.subf %parallel_loop3A_211, %parallel_loop3A_213 : vector<16xf32>
        %parallel_loop3A_215 = tpu.vector_load_idx %arg6[%parallel_loop3A_212] : memref<64xf32, #tpu.memory_space<vmem>>[vector<16xi32>], vector<16xf32>,
        %parallel_loop3A_216 = tpu.vector_load_idx %arg7[%parallel_loop3A_212] : memref<64xf32, #tpu.memory_space<vmem>>[vector<16xi32>], vector<16xf32>,
        %parallel_loop3A_217 = arith.mulf %parallel_loop3A_214, %parallel_loop3A_216 : vector<16xf32>
        %parallel_loop3A_218 = arith.addf %parallel_loop3A_215, %parallel_loop3A_217 : vector<16xf32>
        %parallel_loop3A_219 = arith.index_cast %parallel_loop3A_164 : i32 to index
        %parallel_loop3A_220 = arith.constant 32 : index
        %parallel_loop3A_221 = tpu.vector_load %arg11[%parallel_loop3A_219, %parallel_loop3A_220] {strides = array<i32>} : memref<96x224xf32, #tpu.memory_space<vmem>>, vector<16xf32>,
        tpu.vector_store %arg11[%parallel_loop3A_219, %parallel_loop3A_220], %parallel_loop3A_218 {strides = array<i32>} : memref<96x224xf32, #tpu.memory_space<vmem>>, vector<16xf32>,
        %parallel_loop3A_222 = arith.index_cast %parallel_loop3A_164 : i32 to index
        %parallel_loop3A_223 = arith.constant 48 : index
        %parallel_loop3A_224 = tpu.vector_load %arg9[%parallel_loop3A_222, %parallel_loop3A_223] {strides = array<i32>} : memref<96x224xf32, #tpu.memory_space<vmem>>, vector<16xf32>,
        %parallel_loop3A_225 = arith.constant 1.000000e+01 : f32
        %parallel_loop3A_226 = vector.broadcast %parallel_loop3A_225 : f32 to vector<16xf32>
        %parallel_loop3A_227 = arith.mulf %parallel_loop3A_224, %parallel_loop3A_226 : vector<16xf32>
        %parallel_loop3A_228 = arith.constant 1.000000e+01 : f32
        %parallel_loop3A_229 = vector.broadcast %parallel_loop3A_228 : f32 to vector<16xf32>
        %parallel_loop3A_230 = arith.addf %parallel_loop3A_227, %parallel_loop3A_229 : vector<16xf32>
        %parallel_loop3A_231 = arith.fptosi %parallel_loop3A_230 : vector<16xf32> to vector<16xi32>
        %parallel_loop3A_232 = arith.sitofp %parallel_loop3A_231 : vector<16xi32> to vector<16xf32>
        %parallel_loop3A_233 = arith.subf %parallel_loop3A_230, %parallel_loop3A_232 : vector<16xf32>
        %parallel_loop3A_234 = tpu.vector_load_idx %arg6[%parallel_loop3A_231] : memref<64xf32, #tpu.memory_space<vmem>>[vector<16xi32>], vector<16xf32>,
        %parallel_loop3A_235 = tpu.vector_load_idx %arg7[%parallel_loop3A_231] : memref<64xf32, #tpu.memory_space<vmem>>[vector<16xi32>], vector<16xf32>,
        %parallel_loop3A_236 = arith.mulf %parallel_loop3A_233, %parallel_loop3A_235 : vector<16xf32>
        %parallel_loop3A_237 = arith.addf %parallel_loop3A_234, %parallel_loop3A_236 : vector<16xf32>
        %parallel_loop3A_238 = arith.index_cast %parallel_loop3A_164 : i32 to index
        %parallel_loop3A_239 = arith.constant 48 : index
        %parallel_loop3A_240 = tpu.vector_load %arg11[%parallel_loop3A_238, %parallel_loop3A_239] {strides = array<i32>} : memref<96x224xf32, #tpu.memory_space<vmem>>, vector<16xf32>,
        tpu.vector_store %arg11[%parallel_loop3A_238, %parallel_loop3A_239], %parallel_loop3A_237 {strides = array<i32>} : memref<96x224xf32, #tpu.memory_space<vmem>>, vector<16xf32>,
        %parallel_loop3A_241 = arith.index_cast %parallel_loop3A_164 : i32 to index
        %parallel_loop3A_242 = arith.constant 64 : index
        %parallel_loop3A_243 = tpu.vector_load %arg9[%parallel_loop3A_241, %parallel_loop3A_242] {strides = array<i32>} : memref<96x224xf32, #tpu.memory_space<vmem>>, vector<16xf32>,
        %parallel_loop3A_244 = arith.constant 1.000000e+01 : f32
        %parallel_loop3A_245 = vector.broadcast %parallel_loop3A_244 : f32 to vector<16xf32>
        %parallel_loop3A_246 = arith.mulf %parallel_loop3A_243, %parallel_loop3A_245 : vector<16xf32>
        %parallel_loop3A_247 = arith.constant 1.000000e+01 : f32
        %parallel_loop3A_248 = vector.broadcast %parallel_loop3A_247 : f32 to vector<16xf32>
        %parallel_loop3A_249 = arith.addf %parallel_loop3A_246, %parallel_loop3A_248 : vector<16xf32>
        %parallel_loop3A_250 = arith.fptosi %parallel_loop3A_249 : vector<16xf32> to vector<16xi32>
        %parallel_loop3A_251 = arith.sitofp %parallel_loop3A_250 : vector<16xi32> to vector<16xf32>
        %parallel_loop3A_252 = arith.subf %parallel_loop3A_249, %parallel_loop3A_251 : vector<16xf32>
        %parallel_loop3A_253 = tpu.vector_load_idx %arg6[%parallel_loop3A_250] : memref<64xf32, #tpu.memory_space<vmem>>[vector<16xi32>], vector<16xf32>,
        %parallel_loop3A_254 = tpu.vector_load_idx %arg7[%parallel_loop3A_250] : memref<64xf32, #tpu.memory_space<vmem>>[vector<16xi32>], vector<16xf32>,
        %parallel_loop3A_255 = arith.mulf %parallel_loop3A_252, %parallel_loop3A_254 : vector<16xf32>
        %parallel_loop3A_256 = arith.addf %parallel_loop3A_253, %parallel_loop3A_255 : vector<16xf32>
        %parallel_loop3A_257 = arith.index_cast %parallel_loop3A_164 : i32 to index
        %parallel_loop3A_258 = arith.constant 64 : index
        %parallel_loop3A_259 = tpu.vector_load %arg11[%parallel_loop3A_257, %parallel_loop3A_258] {strides = array<i32>} : memref<96x224xf32, #tpu.memory_space<vmem>>, vector<16xf32>,
        tpu.vector_store %arg11[%parallel_loop3A_257, %parallel_loop3A_258], %parallel_loop3A_256 {strides = array<i32>} : memref<96x224xf32, #tpu.memory_space<vmem>>, vector<16xf32>,
        %parallel_loop3A_260 = arith.index_cast %parallel_loop3A_164 : i32 to index
        %parallel_loop3A_261 = arith.constant 80 : index
        %parallel_loop3A_262 = tpu.vector_load %arg9[%parallel_loop3A_260, %parallel_loop3A_261] {strides = array<i32>} : memref<96x224xf32, #tpu.memory_space<vmem>>, vector<16xf32>,
        %parallel_loop3A_263 = arith.constant 1.000000e+01 : f32
        %parallel_loop3A_264 = vector.broadcast %parallel_loop3A_263 : f32 to vector<16xf32>
        %parallel_loop3A_265 = arith.mulf %parallel_loop3A_262, %parallel_loop3A_264 : vector<16xf32>
        %parallel_loop3A_266 = arith.constant 1.000000e+01 : f32
        %parallel_loop3A_267 = vector.broadcast %parallel_loop3A_266 : f32 to vector<16xf32>
        %parallel_loop3A_268 = arith.addf %parallel_loop3A_265, %parallel_loop3A_267 : vector<16xf32>
        %parallel_loop3A_269 = arith.fptosi %parallel_loop3A_268 : vector<16xf32> to vector<16xi32>
        %parallel_loop3A_270 = arith.sitofp %parallel_loop3A_269 : vector<16xi32> to vector<16xf32>
        %parallel_loop3A_271 = arith.subf %parallel_loop3A_268, %parallel_loop3A_270 : vector<16xf32>
        %parallel_loop3A_272 = tpu.vector_load_idx %arg6[%parallel_loop3A_269] : memref<64xf32, #tpu.memory_space<vmem>>[vector<16xi32>], vector<16xf32>,
        %parallel_loop3A_273 = tpu.vector_load_idx %arg7[%parallel_loop3A_269] : memref<64xf32, #tpu.memory_space<vmem>>[vector<16xi32>], vector<16xf32>,
        %parallel_loop3A_274 = arith.mulf %parallel_loop3A_271, %parallel_loop3A_273 : vector<16xf32>
        %parallel_loop3A_275 = arith.addf %parallel_loop3A_272, %parallel_loop3A_274 : vector<16xf32>
        %parallel_loop3A_276 = arith.index_cast %parallel_loop3A_164 : i32 to index
        %parallel_loop3A_277 = arith.constant 80 : index
        %parallel_loop3A_278 = tpu.vector_load %arg11[%parallel_loop3A_276, %parallel_loop3A_277] {strides = array<i32>} : memref<96x224xf32, #tpu.memory_space<vmem>>, vector<16xf32>,
        tpu.vector_store %arg11[%parallel_loop3A_276, %parallel_loop3A_277], %parallel_loop3A_275 {strides = array<i32>} : memref<96x224xf32, #tpu.memory_space<vmem>>, vector<16xf32>,
        %parallel_loop3A_279 = arith.index_cast %parallel_loop3A_164 : i32 to index
        %parallel_loop3A_280 = arith.constant 96 : index
        %parallel_loop3A_281 = tpu.vector_load %arg9[%parallel_loop3A_279, %parallel_loop3A_280] {strides = array<i32>} : memref<96x224xf32, #tpu.memory_space<vmem>>, vector<16xf32>,
        %parallel_loop3A_282 = arith.constant 1.000000e+01 : f32
        %parallel_loop3A_283 = vector.broadcast %parallel_loop3A_282 : f32 to vector<16xf32>
        %parallel_loop3A_284 = arith.mulf %parallel_loop3A_281, %parallel_loop3A_283 : vector<16xf32>
        %parallel_loop3A_285 = arith.constant 1.000000e+01 : f32
        %parallel_loop3A_286 = vector.broadcast %parallel_loop3A_285 : f32 to vector<16xf32>
        %parallel_loop3A_287 = arith.addf %parallel_loop3A_284, %parallel_loop3A_286 : vector<16xf32>
        %parallel_loop3A_288 = arith.fptosi %parallel_loop3A_287 : vector<16xf32> to vector<16xi32>
        %parallel_loop3A_289 = arith.sitofp %parallel_loop3A_288 : vector<16xi32> to vector<16xf32>
        %parallel_loop3A_290 = arith.subf %parallel_loop3A_287, %parallel_loop3A_289 : vector<16xf32>
        %parallel_loop3A_291 = tpu.vector_load_idx %arg6[%parallel_loop3A_288] : memref<64xf32, #tpu.memory_space<vmem>>[vector<16xi32>], vector<16xf32>,
        %parallel_loop3A_292 = tpu.vector_load_idx %arg7[%parallel_loop3A_288] : memref<64xf32, #tpu.memory_space<vmem>>[vector<16xi32>], vector<16xf32>,
        %parallel_loop3A_293 = arith.mulf %parallel_loop3A_290, %parallel_loop3A_292 : vector<16xf32>
        %parallel_loop3A_294 = arith.addf %parallel_loop3A_291, %parallel_loop3A_293 : vector<16xf32>
        %parallel_loop3A_295 = arith.index_cast %parallel_loop3A_164 : i32 to index
        %parallel_loop3A_296 = arith.constant 96 : index
        %parallel_loop3A_297 = tpu.vector_load %arg11[%parallel_loop3A_295, %parallel_loop3A_296] {strides = array<i32>} : memref<96x224xf32, #tpu.memory_space<vmem>>, vector<16xf32>,
        tpu.vector_store %arg11[%parallel_loop3A_295, %parallel_loop3A_296], %parallel_loop3A_294 {strides = array<i32>} : memref<96x224xf32, #tpu.memory_space<vmem>>, vector<16xf32>,
        %parallel_loop3A_298 = arith.index_cast %parallel_loop3A_164 : i32 to index
        %parallel_loop3A_299 = arith.constant 112 : index
        %parallel_loop3A_300 = tpu.vector_load %arg9[%parallel_loop3A_298, %parallel_loop3A_299] {strides = array<i32>} : memref<96x224xf32, #tpu.memory_space<vmem>>, vector<16xf32>,
        %parallel_loop3A_301 = arith.constant 1.000000e+01 : f32
        %parallel_loop3A_302 = vector.broadcast %parallel_loop3A_301 : f32 to vector<16xf32>
        %parallel_loop3A_303 = arith.mulf %parallel_loop3A_300, %parallel_loop3A_302 : vector<16xf32>
        %parallel_loop3A_304 = arith.constant 1.000000e+01 : f32
        %parallel_loop3A_305 = vector.broadcast %parallel_loop3A_304 : f32 to vector<16xf32>
        %parallel_loop3A_306 = arith.addf %parallel_loop3A_303, %parallel_loop3A_305 : vector<16xf32>
        %parallel_loop3A_307 = arith.fptosi %parallel_loop3A_306 : vector<16xf32> to vector<16xi32>
        %parallel_loop3A_308 = arith.sitofp %parallel_loop3A_307 : vector<16xi32> to vector<16xf32>
        %parallel_loop3A_309 = arith.subf %parallel_loop3A_306, %parallel_loop3A_308 : vector<16xf32>
        %parallel_loop3A_310 = tpu.vector_load_idx %arg6[%parallel_loop3A_307] : memref<64xf32, #tpu.memory_space<vmem>>[vector<16xi32>], vector<16xf32>,
        %parallel_loop3A_311 = tpu.vector_load_idx %arg7[%parallel_loop3A_307] : memref<64xf32, #tpu.memory_space<vmem>>[vector<16xi32>], vector<16xf32>,
        %parallel_loop3A_312 = arith.mulf %parallel_loop3A_309, %parallel_loop3A_311 : vector<16xf32>
        %parallel_loop3A_313 = arith.addf %parallel_loop3A_310, %parallel_loop3A_312 : vector<16xf32>
        %parallel_loop3A_314 = arith.index_cast %parallel_loop3A_164 : i32 to index
        %parallel_loop3A_315 = arith.constant 112 : index
        %parallel_loop3A_316 = tpu.vector_load %arg11[%parallel_loop3A_314, %parallel_loop3A_315] {strides = array<i32>} : memref<96x224xf32, #tpu.memory_space<vmem>>, vector<16xf32>,
        tpu.vector_store %arg11[%parallel_loop3A_314, %parallel_loop3A_315], %parallel_loop3A_313 {strides = array<i32>} : memref<96x224xf32, #tpu.memory_space<vmem>>, vector<16xf32>,
        %parallel_loop3A_317 = arith.index_cast %parallel_loop3A_164 : i32 to index
        %parallel_loop3A_318 = arith.constant 128 : index
        %parallel_loop3A_319 = tpu.vector_load %arg9[%parallel_loop3A_317, %parallel_loop3A_318] {strides = array<i32>} : memref<96x224xf32, #tpu.memory_space<vmem>>, vector<16xf32>,
        %parallel_loop3A_320 = arith.constant 1.000000e+01 : f32
        %parallel_loop3A_321 = vector.broadcast %parallel_loop3A_320 : f32 to vector<16xf32>
        %parallel_loop3A_322 = arith.mulf %parallel_loop3A_319, %parallel_loop3A_321 : vector<16xf32>
        %parallel_loop3A_323 = arith.constant 1.000000e+01 : f32
        %parallel_loop3A_324 = vector.broadcast %parallel_loop3A_323 : f32 to vector<16xf32>
        %parallel_loop3A_325 = arith.addf %parallel_loop3A_322, %parallel_loop3A_324 : vector<16xf32>
        %parallel_loop3A_326 = arith.fptosi %parallel_loop3A_325 : vector<16xf32> to vector<16xi32>
        %parallel_loop3A_327 = arith.sitofp %parallel_loop3A_326 : vector<16xi32> to vector<16xf32>
        %parallel_loop3A_328 = arith.subf %parallel_loop3A_325, %parallel_loop3A_327 : vector<16xf32>
        %parallel_loop3A_329 = tpu.vector_load_idx %arg6[%parallel_loop3A_326] : memref<64xf32, #tpu.memory_space<vmem>>[vector<16xi32>], vector<16xf32>,
        %parallel_loop3A_330 = tpu.vector_load_idx %arg7[%parallel_loop3A_326] : memref<64xf32, #tpu.memory_space<vmem>>[vector<16xi32>], vector<16xf32>,
        %parallel_loop3A_331 = arith.mulf %parallel_loop3A_328, %parallel_loop3A_330 : vector<16xf32>
        %parallel_loop3A_332 = arith.addf %parallel_loop3A_329, %parallel_loop3A_331 : vector<16xf32>
        %parallel_loop3A_333 = arith.index_cast %parallel_loop3A_164 : i32 to index
        %parallel_loop3A_334 = arith.constant 128 : index
        %parallel_loop3A_335 = tpu.vector_load %arg11[%parallel_loop3A_333, %parallel_loop3A_334] {strides = array<i32>} : memref<96x224xf32, #tpu.memory_space<vmem>>, vector<16xf32>,
        tpu.vector_store %arg11[%parallel_loop3A_333, %parallel_loop3A_334], %parallel_loop3A_332 {strides = array<i32>} : memref<96x224xf32, #tpu.memory_space<vmem>>, vector<16xf32>,
        %parallel_loop3A_336 = arith.index_cast %parallel_loop3A_164 : i32 to index
        %parallel_loop3A_337 = arith.constant 144 : index
        %parallel_loop3A_338 = tpu.vector_load %arg9[%parallel_loop3A_336, %parallel_loop3A_337] {strides = array<i32>} : memref<96x224xf32, #tpu.memory_space<vmem>>, vector<16xf32>,
        %parallel_loop3A_339 = arith.constant 1.000000e+01 : f32
        %parallel_loop3A_340 = vector.broadcast %parallel_loop3A_339 : f32 to vector<16xf32>
        %parallel_loop3A_341 = arith.mulf %parallel_loop3A_338, %parallel_loop3A_340 : vector<16xf32>
        %parallel_loop3A_342 = arith.constant 1.000000e+01 : f32
        %parallel_loop3A_343 = vector.broadcast %parallel_loop3A_342 : f32 to vector<16xf32>
        %parallel_loop3A_344 = arith.addf %parallel_loop3A_341, %parallel_loop3A_343 : vector<16xf32>
        %parallel_loop3A_345 = arith.fptosi %parallel_loop3A_344 : vector<16xf32> to vector<16xi32>
        %parallel_loop3A_346 = arith.sitofp %parallel_loop3A_345 : vector<16xi32> to vector<16xf32>
        %parallel_loop3A_347 = arith.subf %parallel_loop3A_344, %parallel_loop3A_346 : vector<16xf32>
        %parallel_loop3A_348 = tpu.vector_load_idx %arg6[%parallel_loop3A_345] : memref<64xf32, #tpu.memory_space<vmem>>[vector<16xi32>], vector<16xf32>,
        %parallel_loop3A_349 = tpu.vector_load_idx %arg7[%parallel_loop3A_345] : memref<64xf32, #tpu.memory_space<vmem>>[vector<16xi32>], vector<16xf32>,
        %parallel_loop3A_350 = arith.mulf %parallel_loop3A_347, %parallel_loop3A_349 : vector<16xf32>
        %parallel_loop3A_351 = arith.addf %parallel_loop3A_348, %parallel_loop3A_350 : vector<16xf32>
        %parallel_loop3A_352 = arith.index_cast %parallel_loop3A_164 : i32 to index
        %parallel_loop3A_353 = arith.constant 144 : index
        %parallel_loop3A_354 = tpu.vector_load %arg11[%parallel_loop3A_352, %parallel_loop3A_353] {strides = array<i32>} : memref<96x224xf32, #tpu.memory_space<vmem>>, vector<16xf32>,
        tpu.vector_store %arg11[%parallel_loop3A_352, %parallel_loop3A_353], %parallel_loop3A_351 {strides = array<i32>} : memref<96x224xf32, #tpu.memory_space<vmem>>, vector<16xf32>,
        %parallel_loop3A_355 = arith.index_cast %parallel_loop3A_164 : i32 to index
        %parallel_loop3A_356 = arith.constant 160 : index
        %parallel_loop3A_357 = tpu.vector_load %arg9[%parallel_loop3A_355, %parallel_loop3A_356] {strides = array<i32>} : memref<96x224xf32, #tpu.memory_space<vmem>>, vector<16xf32>,
        %parallel_loop3A_358 = arith.constant 1.000000e+01 : f32
        %parallel_loop3A_359 = vector.broadcast %parallel_loop3A_358 : f32 to vector<16xf32>
        %parallel_loop3A_360 = arith.mulf %parallel_loop3A_357, %parallel_loop3A_359 : vector<16xf32>
        %parallel_loop3A_361 = arith.constant 1.000000e+01 : f32
        %parallel_loop3A_362 = vector.broadcast %parallel_loop3A_361 : f32 to vector<16xf32>
        %parallel_loop3A_363 = arith.addf %parallel_loop3A_360, %parallel_loop3A_362 : vector<16xf32>
        %parallel_loop3A_364 = arith.fptosi %parallel_loop3A_363 : vector<16xf32> to vector<16xi32>
        %parallel_loop3A_365 = arith.sitofp %parallel_loop3A_364 : vector<16xi32> to vector<16xf32>
        %parallel_loop3A_366 = arith.subf %parallel_loop3A_363, %parallel_loop3A_365 : vector<16xf32>
        %parallel_loop3A_367 = tpu.vector_load_idx %arg6[%parallel_loop3A_364] : memref<64xf32, #tpu.memory_space<vmem>>[vector<16xi32>], vector<16xf32>,
        %parallel_loop3A_368 = tpu.vector_load_idx %arg7[%parallel_loop3A_364] : memref<64xf32, #tpu.memory_space<vmem>>[vector<16xi32>], vector<16xf32>,
        %parallel_loop3A_369 = arith.mulf %parallel_loop3A_366, %parallel_loop3A_368 : vector<16xf32>
        %parallel_loop3A_370 = arith.addf %parallel_loop3A_367, %parallel_loop3A_369 : vector<16xf32>
        %parallel_loop3A_371 = arith.index_cast %parallel_loop3A_164 : i32 to index
        %parallel_loop3A_372 = arith.constant 160 : index
        %parallel_loop3A_373 = tpu.vector_load %arg11[%parallel_loop3A_371, %parallel_loop3A_372] {strides = array<i32>} : memref<96x224xf32, #tpu.memory_space<vmem>>, vector<16xf32>,
        tpu.vector_store %arg11[%parallel_loop3A_371, %parallel_loop3A_372], %parallel_loop3A_370 {strides = array<i32>} : memref<96x224xf32, #tpu.memory_space<vmem>>, vector<16xf32>,
        %parallel_loop3A_374 = arith.index_cast %parallel_loop3A_164 : i32 to index
        %parallel_loop3A_375 = arith.constant 176 : index
        %parallel_loop3A_376 = tpu.vector_load %arg9[%parallel_loop3A_374, %parallel_loop3A_375] {strides = array<i32>} : memref<96x224xf32, #tpu.memory_space<vmem>>, vector<16xf32>,
        %parallel_loop3A_377 = arith.constant 1.000000e+01 : f32
        %parallel_loop3A_378 = vector.broadcast %parallel_loop3A_377 : f32 to vector<16xf32>
        %parallel_loop3A_379 = arith.mulf %parallel_loop3A_376, %parallel_loop3A_378 : vector<16xf32>
        %parallel_loop3A_380 = arith.constant 1.000000e+01 : f32
        %parallel_loop3A_381 = vector.broadcast %parallel_loop3A_380 : f32 to vector<16xf32>
        %parallel_loop3A_382 = arith.addf %parallel_loop3A_379, %parallel_loop3A_381 : vector<16xf32>
        %parallel_loop3A_383 = arith.fptosi %parallel_loop3A_382 : vector<16xf32> to vector<16xi32>
        %parallel_loop3A_384 = arith.sitofp %parallel_loop3A_383 : vector<16xi32> to vector<16xf32>
        %parallel_loop3A_385 = arith.subf %parallel_loop3A_382, %parallel_loop3A_384 : vector<16xf32>
        %parallel_loop3A_386 = tpu.vector_load_idx %arg6[%parallel_loop3A_383] : memref<64xf32, #tpu.memory_space<vmem>>[vector<16xi32>], vector<16xf32>,
        %parallel_loop3A_387 = tpu.vector_load_idx %arg7[%parallel_loop3A_383] : memref<64xf32, #tpu.memory_space<vmem>>[vector<16xi32>], vector<16xf32>,
        %parallel_loop3A_388 = arith.mulf %parallel_loop3A_385, %parallel_loop3A_387 : vector<16xf32>
        %parallel_loop3A_389 = arith.addf %parallel_loop3A_386, %parallel_loop3A_388 : vector<16xf32>
        %parallel_loop3A_390 = arith.index_cast %parallel_loop3A_164 : i32 to index
        %parallel_loop3A_391 = arith.constant 176 : index
        %parallel_loop3A_392 = tpu.vector_load %arg11[%parallel_loop3A_390, %parallel_loop3A_391] {strides = array<i32>} : memref<96x224xf32, #tpu.memory_space<vmem>>, vector<16xf32>,
        tpu.vector_store %arg11[%parallel_loop3A_390, %parallel_loop3A_391], %parallel_loop3A_389 {strides = array<i32>} : memref<96x224xf32, #tpu.memory_space<vmem>>, vector<16xf32>,
        %parallel_loop3A_393 = arith.index_cast %parallel_loop3A_164 : i32 to index
        %parallel_loop3A_394 = arith.constant 192 : index
        %parallel_loop3A_395 = tpu.vector_load %arg9[%parallel_loop3A_393, %parallel_loop3A_394] {strides = array<i32>} : memref<96x224xf32, #tpu.memory_space<vmem>>, vector<16xf32>,
        %parallel_loop3A_396 = arith.constant 1.000000e+01 : f32
        %parallel_loop3A_397 = vector.broadcast %parallel_loop3A_396 : f32 to vector<16xf32>
        %parallel_loop3A_398 = arith.mulf %parallel_loop3A_395, %parallel_loop3A_397 : vector<16xf32>
        %parallel_loop3A_399 = arith.constant 1.000000e+01 : f32
        %parallel_loop3A_400 = vector.broadcast %parallel_loop3A_399 : f32 to vector<16xf32>
        %parallel_loop3A_401 = arith.addf %parallel_loop3A_398, %parallel_loop3A_400 : vector<16xf32>
        %parallel_loop3A_402 = arith.fptosi %parallel_loop3A_401 : vector<16xf32> to vector<16xi32>
        %parallel_loop3A_403 = arith.sitofp %parallel_loop3A_402 : vector<16xi32> to vector<16xf32>
        %parallel_loop3A_404 = arith.subf %parallel_loop3A_401, %parallel_loop3A_403 : vector<16xf32>
        %parallel_loop3A_405 = tpu.vector_load_idx %arg6[%parallel_loop3A_402] : memref<64xf32, #tpu.memory_space<vmem>>[vector<16xi32>], vector<16xf32>,
        %parallel_loop3A_406 = tpu.vector_load_idx %arg7[%parallel_loop3A_402] : memref<64xf32, #tpu.memory_space<vmem>>[vector<16xi32>], vector<16xf32>,
        %parallel_loop3A_407 = arith.mulf %parallel_loop3A_404, %parallel_loop3A_406 : vector<16xf32>
        %parallel_loop3A_408 = arith.addf %parallel_loop3A_405, %parallel_loop3A_407 : vector<16xf32>
        %parallel_loop3A_409 = arith.index_cast %parallel_loop3A_164 : i32 to index
        %parallel_loop3A_410 = arith.constant 192 : index
        %parallel_loop3A_411 = tpu.vector_load %arg11[%parallel_loop3A_409, %parallel_loop3A_410] {strides = array<i32>} : memref<96x224xf32, #tpu.memory_space<vmem>>, vector<16xf32>,
        tpu.vector_store %arg11[%parallel_loop3A_409, %parallel_loop3A_410], %parallel_loop3A_408 {strides = array<i32>} : memref<96x224xf32, #tpu.memory_space<vmem>>, vector<16xf32>,
        %parallel_loop3A_412 = arith.index_cast %parallel_loop3A_164 : i32 to index
        %parallel_loop3A_413 = arith.constant 208 : index
        %parallel_loop3A_414 = tpu.vector_load %arg9[%parallel_loop3A_412, %parallel_loop3A_413] {strides = array<i32>} : memref<96x224xf32, #tpu.memory_space<vmem>>, vector<16xf32>,
        %parallel_loop3A_415 = arith.constant 1.000000e+01 : f32
        %parallel_loop3A_416 = vector.broadcast %parallel_loop3A_415 : f32 to vector<16xf32>
        %parallel_loop3A_417 = arith.mulf %parallel_loop3A_414, %parallel_loop3A_416 : vector<16xf32>
        %parallel_loop3A_418 = arith.constant 1.000000e+01 : f32
        %parallel_loop3A_419 = vector.broadcast %parallel_loop3A_418 : f32 to vector<16xf32>
        %parallel_loop3A_420 = arith.addf %parallel_loop3A_417, %parallel_loop3A_419 : vector<16xf32>
        %parallel_loop3A_421 = arith.fptosi %parallel_loop3A_420 : vector<16xf32> to vector<16xi32>
        %parallel_loop3A_422 = arith.sitofp %parallel_loop3A_421 : vector<16xi32> to vector<16xf32>
        %parallel_loop3A_423 = arith.subf %parallel_loop3A_420, %parallel_loop3A_422 : vector<16xf32>
        %parallel_loop3A_424 = tpu.vector_load_idx %arg6[%parallel_loop3A_421] : memref<64xf32, #tpu.memory_space<vmem>>[vector<16xi32>], vector<16xf32>,
        %parallel_loop3A_425 = tpu.vector_load_idx %arg7[%parallel_loop3A_421] : memref<64xf32, #tpu.memory_space<vmem>>[vector<16xi32>], vector<16xf32>,
        %parallel_loop3A_426 = arith.mulf %parallel_loop3A_423, %parallel_loop3A_425 : vector<16xf32>
        %parallel_loop3A_427 = arith.addf %parallel_loop3A_424, %parallel_loop3A_426 : vector<16xf32>
        %parallel_loop3A_428 = arith.index_cast %parallel_loop3A_164 : i32 to index
        %parallel_loop3A_429 = arith.constant 208 : index
        %parallel_loop3A_430 = tpu.vector_load %arg11[%parallel_loop3A_428, %parallel_loop3A_429] {strides = array<i32>} : memref<96x224xf32, #tpu.memory_space<vmem>>, vector<16xf32>,
        tpu.vector_store %arg11[%parallel_loop3A_428, %parallel_loop3A_429], %parallel_loop3A_427 {strides = array<i32>} : memref<96x224xf32, #tpu.memory_space<vmem>>, vector<16xf32>,
      } {sc.loop_unroll_factor = 1 : i64, sc.parallel_access}
      %mul3A_157 = arith.constant 96 : i32
      %mul3A_158 = arith.muli %add3A_135, %mul3A_157 : i32
      %add3A_159 = arith.addi %mul3A_2, %mul3A_158 : i32
      %dma_start3A_160 = arith.constant 0 : i32
      %dma_start3A_161 = tpu.memref_slice %arg4[%add3A_159, %dma_start3A_160] : memref<43008x224xf32, #tpu.memory_space<hbm>> -> memref<96x224xf32, #tpu.memory_space<hbm>>
      %dma_start3A_162 = arith.constant 0 : i32
      %dma_start3A_163 = tpu.memref_slice %arg4[%add3A_159, %dma_start3A_162] : memref<43008x224xf32, #tpu.memory_space<hbm>> -> memref<96x224xf32, #tpu.memory_space<hbm>>
      tpu.enqueue_dma source(%arg11 : memref<96x224xf32, #tpu.memory_space<vmem>>) target(%dma_start3A_163 : memref<96x224xf32, #tpu.memory_space<hbm>>) target_semaphore(%arg15 : memref<!tpu.dma_semaphore, #tpu.memory_space<semaphore_mem>>)
    }
    %scan3A_93 = arith.constant 7 : i32
    %dma_wait3A = arith.constant 0 : i32
    %dma_wait3A_94 = arith.constant 0 : i32
    %dma_wait3A_95 = tpu.memref_slice %arg4[%dma_wait3A, %dma_wait3A_94] : memref<43008x224xf32, #tpu.memory_space<hbm>> -> memref<96x224xf32, #tpu.memory_space<hbm>>
    %dma_wait3A_96 = arith.constant 0 : i32
    %dma_wait3A_97 = arith.constant 0 : i32
    %dma_wait3A_98 = tpu.memref_slice %arg4[%dma_wait3A_96, %dma_wait3A_97] : memref<43008x224xf32, #tpu.memory_space<hbm>> -> memref<96x224xf32, #tpu.memory_space<hbm>>
    tpu.wait_dma2 semaphore(%arg14 : memref<!tpu.dma_semaphore, #tpu.memory_space<semaphore_mem>>) src(%arg10 : memref<96x224xf32, #tpu.memory_space<vmem>>) dst(%dma_wait3A_98 : memref<96x224xf32, #tpu.memory_space<hbm>>)
    %dma_wait3A_99 = arith.constant 0 : i32
    %dma_wait3A_100 = arith.constant 0 : i32
    %dma_wait3A_101 = tpu.memref_slice %arg4[%dma_wait3A_99, %dma_wait3A_100] : memref<43008x224xf32, #tpu.memory_space<hbm>> -> memref<96x224xf32, #tpu.memory_space<hbm>>
    %dma_wait3A_102 = arith.constant 0 : i32
    %dma_wait3A_103 = arith.constant 0 : i32
    %dma_wait3A_104 = tpu.memref_slice %arg4[%dma_wait3A_102, %dma_wait3A_103] : memref<43008x224xf32, #tpu.memory_space<hbm>> -> memref<96x224xf32, #tpu.memory_space<hbm>>
    tpu.wait_dma2 semaphore(%arg15 : memref<!tpu.dma_semaphore, #tpu.memory_space<semaphore_mem>>) src(%arg11 : memref<96x224xf32, #tpu.memory_space<vmem>>) dst(%dma_wait3A_104 : memref<96x224xf32, #tpu.memory_space<hbm>>)
    return
  }
}

</mosaic_0001>

<sc_bundles>
// kernel: kernel.3.cloned.1.call-start
scs
__scs_entry_jumppad:
0x0: {  	(pc) =	sbr.rel $0x88, $3  }
0x1: {  	(tag) =	ssettag $0x0;
	lr =	simm.s32 $0x1  }
0x2: {  	[smem:$0x3F9F] =	sst lr;
	_ =	strace $0xD0000000  }
0x3: {  	_ = 	snop  }
0x4: {  	_ = 	snop  }
0x5: {  	_ = 	snop  }
0x6: {  	_ = 	snop  }
0x7: {  	_ = 	snop  }
__scs_overlays_trampoline_lowered:
0x8: {  	[smem:$0x3FAE] =	sst s0  }
0x9: {  	[smem:$0x3FAF] =	sst s1  }
0xa: {  	[smem:$0x3FB0] =	sst s2  }
0xb: {  	[smem:$0x3FB1] =	sst s3  }
0xc: {  	[smem:$0x3FB2] =	sst s4  }
0xd: {  	[smem:$0x3FB3] =	sst s5  }
0xe: {  	[smem:$0x3FB4] =	sst s6  }
0xf: {  	[smem:$0x3FB5] =	sst s7  }
0x10: {  	[smem:$0x3FB6] =	sst s8  }
0x11: {  	[smem:$0x3FB7] =	sst s9;
	s0 =	simm.s32 @!p0 $0x0  }
0x12: {  	s1 =	sld [smem:$0x3F9D];
	s0 =	simm.s32 @p0 $0x1  }
0x13: {  	[smem:$0x3FB8] =	sst s0;
	s0 =	simm.s32 @!p1 $0x0  }
0x14: {  	s2 =	sld [smem:$0x3F9C];
	s0 =	simm.s32 @p1 $0x1  }
0x15: {  	[smem:$0x3FB9] =	sst s0;
	s0 =	simm.s32 @!p2 $0x0  }
0x16: {  	s3 =	sld [smem:$0x3FDB];
	s0 =	simm.s32 @p2 $0x1  }
0x17: {  	s4 =	simm.s32 $0x1BF5;
	[smem:$0x3FBB] =	sst s0  }
0x18: {  	s0 =	sld [smem:$0x3F9E];
	_ =	swait.ge [sflag:s4], $0x0  }
0x19: {  	s7 =	sld [smem:$0x3F9F]  }
0x1a: {  	s8 =	sadd.s32 $0xFFFFE003, lr  }
0x1b: {  	s9 =	sadd.s32 $0xFFFFFEF7, lr;
	s5 =	simm.s32 $0xFFFFFFFF;
	p2 =	slt.u32 s8, $0xFFFFF086  }
0x1c: {  	p1 =	slt.u32 s9, $0xF7A;
	s5 =	simm.s32 @!p2 $0x0  }
0x1d: {  	s5 =	simm.s32 @p1 $0x1;
	p0 =	seq.s32 s7, s2  }
0x1e: {  	s7 =	smul.u32 @!p0 $0xF7A, s2;
	p2 =	seq.s32 @!p0 s5, $0x0  }
0x1f: {  	s9 =	smul.u32 $0xF7A, s1;
	s8 =	simm.s32 @!p0 $0x1BF5;
	p2 =	por !p2, p0  }
0x20: {  	[sflag:s8] =	ssyncset.s32 @!p0 $0xFFFFF086;
	s6 =	sadd.s32 @!p0 s3, s7;
	s7 =	simm.s32 @!p0 $0x108  }
0x21: {  	s3 =	sadd.s32 s3, s9;
	s6 =	sadd.s32 @!p0 $0x88, s6;
	s7 =	simm.s32 @p2 $0x1082  }
0x22: {  	[simem:s7], [sflag:s8] =	dma.local @!p0 [hbm:s6], $0xF7A  }
0x23: {  	s9 =	sor.u32 $0xD0000000, s2;
	s6 =	simm.s32 $0x108;
	_ =	swait.ge @!p0 [sflag:s8], $0x0  }
0x24: {  	s3 =	sadd.s32 $0x88, s3;
	s6 =	simm.s32 @!p1 $0x1082;
	[sflag:s4] =	ssyncset.s32 $0xFFFFF086  }
0x25: {  	[simem:s6], [sflag:s4] =	dma.local [hbm:s3], $0xF7A  }
0x26: {  	[smem:$0x3F9F] =	sst s1;
	(tag) =	ssettag s2;
	_ =	strace s9  }
0x27: {  	s1 =	sld [smem:$0x3FAF]  }
0x28: {  	s2 =	sld [smem:$0x3FB0]  }
0x29: {  	s4 =	sld [smem:$0x3FB2]  }
0x2a: {  	p0 =	seq.s32 s5, $0x0;
	s5 =	sld [smem:$0x3FB3]  }
0x2b: {  	s6 =	sld [smem:$0x3FB4]  }
0x2c: {  	s7 =	sld [smem:$0x3FB5]  }
0x2d: {  	s3 =	simm.s32 $0x108;
	s8 =	sld [smem:$0x3FB6]  }
0x2e: {  	s3 =	simm.s32 @!p0 $0x1082;
	s9 =	sld [smem:$0x3FB7]  }
0x2f: {  	lr =	sadd.s32 s0, s3;
	s0 =	sld [smem:$0x3FAE]  }
0x30: {  	s3 =	sld [smem:$0x3FB1]  }
0x31: {  	[smem:$0x3FBA] =	sst s10  }
0x32: {  	s10 =	sld [smem:$0x3FB8];
	_ =	sdelay $0x3  }
0x33: {  	p0 =	seq.s32 s10, $0x1;
	s10 =	sld [smem:$0x3FBA];
	_ =	sdelay $0x3  }
0x34: {  	[smem:$0x3FBA] =	sst s10  }
0x35: {  	s10 =	sld [smem:$0x3FB9];
	_ =	sdelay $0x3  }
0x36: {  	p1 =	seq.s32 s10, $0x1;
	s10 =	sld [smem:$0x3FBA];
	_ =	sdelay $0x3  }
0x37: {  	[smem:$0x3FBA] =	sst s10  }
0x38: {  	s10 =	sld [smem:$0x3FBB]  }
0x39: {  	_ = 	snop;
	(pc) =	sbr.ind lr, $3  }
0x3a: {  	_ = 	snop  }
0x3b: {  	_ = 	snop  }
0x3c: {  	p2 =	seq.s32 s10, $0x1;
	s10 =	sld [smem:$0x3FBA]  }
0x3d: {  	_ =	shalt  }
0x3e: {  	_ =	shalt  }
0x3f: {  	_ =	shalt  }
0x40: {  	_ =	shalt  }
0x41: {  	_ =	shalt  }
0x42: {  	_ =	shalt  }
0x43: {  	_ =	shalt  }
0x44: {  	_ =	shalt  }
0x45: {  	_ =	shalt  }
0x46: {  	_ =	shalt  }
0x47: {  	_ =	shalt  }
0x48: {  	_ =	shalt  }
0x49: {  	_ =	shalt  }
0x4a: {  	_ =	shalt  }
0x4b: {  	_ =	shalt  }
0x4c: {  	_ =	shalt  }
0x4d: {  	_ =	shalt  }
0x4e: {  	_ =	shalt  }
0x4f: {  	_ =	shalt  }
0x50: {  	_ =	shalt  }
0x51: {  	_ =	shalt  }
0x52: {  	_ =	shalt  }
0x53: {  	_ =	shalt  }
0x54: {  	_ =	shalt  }
0x55: {  	_ =	shalt  }
0x56: {  	_ =	shalt  }
0x57: {  	_ =	shalt  }
0x58: {  	_ =	shalt  }
0x59: {  	_ =	shalt  }
0x5a: {  	_ =	shalt  }
0x5b: {  	_ =	shalt  }
0x5c: {  	_ =	shalt  }
0x5d: {  	_ =	shalt  }
0x5e: {  	_ =	shalt  }
0x5f: {  	_ =	shalt  }
0x60: {  	_ =	shalt  }
0x61: {  	_ =	shalt  }
0x62: {  	_ =	shalt  }
0x63: {  	_ =	shalt  }
0x64: {  	_ =	shalt  }
0x65: {  	_ =	shalt  }
0x66: {  	_ =	shalt  }
0x67: {  	_ =	shalt  }
0x68: {  	_ =	shalt  }
0x69: {  	_ =	shalt  }
0x6a: {  	_ =	shalt  }
0x6b: {  	_ =	shalt  }
0x6c: {  	_ =	shalt  }
0x6d: {  	_ =	shalt  }
0x6e: {  	_ =	shalt  }
0x6f: {  	_ =	shalt  }
0x70: {  	_ =	shalt  }
0x71: {  	_ =	shalt  }
0x72: {  	_ =	shalt  }
0x73: {  	_ =	shalt  }
0x74: {  	_ =	shalt  }
0x75: {  	_ =	shalt  }
0x76: {  	_ =	shalt  }
0x77: {  	_ =	shalt  }
0x78: {  	_ =	shalt  }
0x79: {  	_ =	shalt  }
0x7a: {  	_ =	shalt  }
0x7b: {  	_ =	shalt  }
0x7c: {  	_ =	shalt  }
0x7d: {  	_ =	shalt  }
0x7e: {  	_ =	shalt  }
0x7f: {  	_ =	shalt  }
0x80: {  	_ =	shalt  }
0x81: {  	_ =	shalt  }
0x82: {  	_ =	shalt  }
0x83: {  	_ =	shalt  }
0x84: {  	_ =	shalt  }
0x85: {  	_ =	shalt  }
0x86: {  	_ =	shalt  }
0x87: {  	_ =	shalt  }
.Lfunc_end0:
.L_simem_size_0:
called_computation_lowered:
.L_overlay_start_0:
0x88: {  	s2 =	sld [smem:$0x3FD9]  }
0x89: {  	s3 =	sld [smem:$0x3FFE];
	_ =	sdelay $0x1  }
0x8a: {  	s1 =	srdreg.scid  }
0x8b: {  	s0 =	sand.u32 $0x1, s1  }
0x8c: {  	s18 =	sshll.u32 s0, $0xA;
	s2 =	sadd.s32 s3, s2  }
0x8d: {  	s2 =	sadd.s32 s2, s18  }
0x8e: {  	[smem:$0x3FC6] =	sst s2  }
0x8f: {  	_ = 	snop  }
0x90: {  	s2 =	sld [smem:$0x3FC9]  }
0x91: {  	s19 =	sld [smem:$0x3FC8]  }
0x92: {  	s4 =	sld [smem:$0x3FD0];
	(tm) =	ssettm $0x1  }
0x93: {  	s5 =	sld [smem:$0x3FFB];
	_ =	sdelay $0x3  }
0x94: {  	_ =	strace s5  }
0x95: {  	s5 =	sld [smem:$0x3FFC];
	_ =	sdelay $0x3  }
0x96: {  	_ =	strace s5  }
0x97: {  	s5 =	sld [smem:$0x3FFD];
	_ =	sdelay $0x3  }
0x98: {  	_ =	strace s5  }
0x99: {  	_ =	strace $0x8FFFFFFF  }
0x9a: {  	s20 =	sld [smem:$0x3FDB];
	_ =	sdelay $0x1  }
0x9b: {  	s6 =	simm.s32 $_scs_section_size  }
0x9c: {  	s7 =	simm.s32 $_size__tile_overlayer_lowered;
	s8 =	simm.s32 $_tile_overlayer_lowered  }
0x9d: {  	s23 =	simm.s32 $0x1BFF;
	s22 =	sshll.u32 s8, $0x1;
	s5 =	sadd.s32 s6, s20  }
0x9e: {  	s9 =	simm.s32 $0x0;
	s21 =	sshll.u32 s7, $0x1;
	s7 =	sadd.s32 s22, s5  }
0x9f: {  	[timem:s9], [sflag:s23] =	dma.local [hbm:s7], s21  }
0xa0: {  	_ =	swait.ge [sflag:s23], s21  }
0xa1: {  	s6 =	ssub.s32 $0x0, s21;
	[sflag:s23] =	ssyncset.done $0x0  }
0xa2: {  	[sflag:s23] =	ssyncadd.s32 s6;
	_ =	sdelay $0x1  }
0xa3: {  	s24 =	simm.s32 $0x1B8B  }
0xa4: {  	_ =	swait.ge [sflag:s24], $0x1  }
0xa5: {  	[sflag:s24] =	ssyncset.done $0x0  }
0xa6: {  	s25 =	simm.s32 $0x1B8E;
	[sflag:s24] =	ssyncadd.s32 $0xFFFFFFFF  }
0xa7: {  	s26 =	simm.s32 $execute0_lowered;
	[smem:$0x3FD2] =	sst s25  }
0xa8: {  	s6 =	sshll.u32 s26, $0x1;
	_ =	strace $0x80000046;
	[dreg:$0x1] =	wrdreg $0xFFFFFFFF  }
0xa9: {  	s28 =	simm.s32 $_size_execute0_lowered;
	s5 =	sadd.s32 s5, s6;
	[dreg:$0x0] =	wrdreg $0x0  }
0xaa: {  	s6 =	sshll.u32 s28, $0x1;
	[dreg:$0x2] =	wrdreg s5  }
0xab: {  	[dreg:$0x3] =	wrdreg s6  }
0xac: {  	[dreg:$0x4] =	wrdreg $0xC0  }
0xad: {  	_ =	task [dreg:s9], $0x5FFFF  }
0xae: {  	[dreg:$0x1] =	wrdreg $0xFFFFFFFF  }
0xaf: {  	[dreg:$0x0] =	wrdreg $0x60  }
0xb0: {  	[dreg:$0x2] =	wrdreg s19  }
0xb1: {  	[dreg:$0x3] =	wrdreg s2  }
0xb2: {  	[dreg:$0x4] =	wrdreg s4  }
0xb3: {  	[dreg:$0x5] =	wrdreg $0x9  }
0xb4: {  	_ =	task.clear_ibuf [dreg:s9], $0x6FFFF;
	_ =	strace $0x90000046  }
0xb5: {  	s29 =	simm.s32 $0x9;
	_ =	strace $0x80000048  }
0xb6: {  	_ =	swait.ge [sflag:s29], $0x1  }
0xb7: {  	[sflag:s29] =	ssyncadd.s32 $0xFFFFFFFF  }
0xb8: {  	_ =	strace $0x90000048  }
0xb9: {  	_ =	sfence  }
0xba: {  	s30 =	sld [smem:$0x0];
	_ =	sdelay $0x2  }
0xbb: {  	s31 =	sshll.u32 s1, $0xD;
	s1 =	sshrl.u32 s1, $0x2  }
0xbc: {  	s3 =	sand.u32 $0x4000, s31;
	s1 =	sadd.s32 s1, s30  }
0xbd: {  	s0 =	sor.u32 s3, s0;
	s1 =	sshll.u32 s1, $0x11  }
0xbe: {  	s0 =	sor.u32 s1, s0  }
0xbf: {  	s0 =	sadd.s32 $0x8F2B, s0  }
0xc0: {  	[sflag:s0] =	ssyncadd.remote.s32 $0x1  }
0xc1: {  	_ =	sfence.sel $0xFFFF  }
0xc2: {  	[dreg:$0x0] =	wrdreg $0xFFFFFFFF;
	(pc) =	sbr.abs _section_cstart, $3  }
0xc3: {  	[dreg:$0x1] =	wrdreg $0xFFFFFFFF  }
0xc4: {  	_ =	task.clear_ibuf [dreg:s9], $0x2FFFF;
	_ =	strace $0x9FFFFFFF  }
0xc5: {  	(tm) =	ssettm $0x7FFFFFFF  }
tec
execute0_lowered:
.L_overlay_start_1:
0x0: {  	(tag) =	ssettag $0x1  }
0x1: {  	s3 =	rddreg [dreg:$0x1];
	s0 =	srdreg.scid  }
0x2: {  	s1 =	stileid.u32;
	s4 =	rddreg [dreg:$0x2]  }
0x3: {  	s5 =	simm.s32 $0x0;
	s11 =	simm.s32 $0x5;
	s12 =	simm.s32 $0x180  }
0x4: {  	s13 =	simm.s32 $0x6180;
	s14 =	simm.s32 $0x1;
	s15 =	simm.s32 $0x80  }
0x5: {  	s16 =	simm.s32 $0x100;
	s17 =	simm.s32 $0xC180;
	s18 =	simm.s32 $0x2  }
0x6: {  	s19 =	simm.s32 $0x4;
	s0 =	sand.u32 $0x1, s0;
	s2 =	sshll.u32 s1, $0x1  }
0x7: {  	s20 =	simm.s32 $0x12180;
	s21 =	simm.s32 $0x3;
	s2 =	sor.u32 s0, s2  }
0x8: {  	s22 =	simm.s32 $0x0;
	s0 =	ssub.s32 $0x2, s0;
	s7 =	smul.u32 $0xA800, s2  }
0x9: {  	[smem:$0x7FF] =	sst s5;
	s8 =	sshrl.u32 s0, $0x1;
	s6 =	smul.u32 $0x540, s2  }
0xa: {  	_ =	strace $0x80000047;
	s0 =	ssub.s32 s0, s8;
	s7 =	sadd.s32 s3, s7  }
0xb: {  	vm0 =	vmmov $0x1;
	vm1 =	vmmov $0x1f;
	v0 =	vimm.f32 $0.0e+00;
	s8 =	sadd.s32 $0x60, s6;
	s9 =	sadd.s32 $0xC0, s6;
	s10 =	smax.u32 s0, $0x1  }
.LBB2_1:
0xc: {  	s0 =	rddreg [dreg:$0x0]  }
0xd: {  	[tilespmem:s5], [sflag:$0x5] =	stream.linear.gather [hbm4b:s0+s5], $0x15, $0x38;
	[tilespmem:$0x18180] =	vst v63  }
0xe: {  	_ =	swait.ge [sflag:s11], $0x15  }
0xf: {  	[sflag:s11] =	ssyncset.done $0x0  }
0x10: {  	[sflag:s11] =	ssyncadd.s32 $0xFFFFFFEB  }
0x11: {  	[tilespmem:s12], [sflag:$0x1] =	stream.linear.gather [hbm4b:s7+s5], $0x6000, $0x38;
	[tilespmem:$0x18180] =	vst v63  }
0x12: {  	v1 =	vld [tilespmem:$0x0];
	_ =	sdelay $0x4  }
0x13: {  	v2 =	vnsel vm0, $0xFF61B1E6, v1  }
0x14: {  	(xrf0) =	vmax.scan.msk.f32 $0xffff, v2;
	_ =	sdelay $0x4  }
0x15: {  	v2 =	vld [tilespmem:$0x10]  }
0x16: {  	v3, _, _ =	vpop (xrf0)  }
0x17: {  	v3 =	vbroadcast v3, $0xF;
	_ =	sdelay $0x1  }
0x18: {  	v1 =	vsub.f32 v1, v3  }
0x19: {  	v2 =	vsub.f32 v2, v3  }
0x1a: {  	v1 =	vmul.f32 $1.442695020e+00, v1  }
0x1b: {  	v2 =	vmul.f32 $1.442695020e+00, v2  }
0x1c: {  	(erf) = vpow2.f32 v1  }
0x1d: {  	(erf) = vpow2.f32 v2;
	_ =	sdelay $0x7  }
0x1e: {  	v1 =	vpop (erf)  }
0x1f: {  	v2 =	vpop (erf)  }
0x20: {  	(xrf2) =	vadd.scan.msk.f32 $0xffff, v1;
	v2 =	vnsel vm1, $0x0, v2  }
0x21: {  	(xrf2) =	vadd.scan.msk.f32 $0xffff, v2;
	_ =	sdelay $0x8  }
0x22: {  	v1, _, _ =	vpop (xrf2)  }
0x23: {  	(v2sf) =	vpush v1, $0xF;
	v2, _, _ =	vpop (xrf2)  }
0x24: {  	(v2sf) =	vpush v2, $0xF;
	_ =	sdelay $0xd  }
0x25: {  	s31 =	spop (v2sf)  }
0x26: {  	s2 =	spop (v2sf)  }
0x27: {  	s0 =	sadd.f32 s2, s31;
	_ =	sdelay $0x1  }
0x28: {  	s0 =	sadd.f32 $-1.000000000e+00, s0;
	_ =	sdelay $0x1  }
0x29: {  	s0 =	sadd.f32 $9.999999930e-09, s0;
	_ =	sdelay $0x1  }
0x2a: {  	v3 =	vmov s0  }
0x2b: {  	(erf) = vrcp.f32 v3;
	_ =	sdelay $0x4  }
0x2c: {  	v3 =	vbroadcast v1, $0xF;
	_ =	sdelay $0x1  }
0x2d: {  	v2 =	vadd.f32 v3, v2  }
0x2e: {  	v1 =	vadd.f32 $-1.000000000e+00, v1  }
0x2f: {  	v2 =	vadd.f32 $-1.000000000e+00, v2;
	v3 =	vpop (erf)  }
0x30: {  	v1 =	vmul.f32 v3, v1  }
0x31: {  	v2 =	vmul.f32 v3, v2  }
0x32: {  	v1 =	vadd.f32 v1, v1  }
0x33: {  	v2 =	vadd.f32 v2, v2  }
0x34: {  	v1 =	vadd.f32 $-1.000000000e+00, v1  }
0x35: {  	v2 =	vadd.f32 $-1.000000000e+00, v2  }
0x36: {  	[tilespmem:$0x80] =	vst v1  }
0x37: {  	[tilespmem:$0x90] =	vst v2  }
0x38: {  	[tilespmem:$0xA0] =	vst v0;
	v2 =	vld [tilespmem:$0x81]  }
0x39: {  	v3 =	vld [tilespmem:$0x91]  }
0x3a: {  	v4 =	vld [tilespmem:$0x90];
	_ =	sdelay $0x3  }
0x3b: {  	v1 =	vsub.f32 v2, v1  }
0x3c: {  	v2 =	vsub.f32 v3, v4  }
0x3d: {  	[tilespmem:$0x100] =	vst v1  }
0x3e: {  	s23 =	simm.s32 $0x0;
	[tilespmem:$0x110] =	vst v2  }
.LBB2_2:
0x3f: {  	s25 =	smul.u32 $0xC0, s23;
	_ =	sdelay $0x1  }
0x40: {  	s0 =	sadd.s32 s25, s8  }
0x41: {  	s24 =	sshll.u32 s0, $0x5  }
0x42: {  	s0 =	sadd.s32 s3, s24  }
0x43: {  	[tilespmem:s13], [sflag:$0x2] =	stream.linear.gather [hbm4b:s0+s5], $0x6000, $0x38;
	[tilespmem:$0x18180] =	vst v63  }
0x44: {  	_ =	swait.ge [sflag:s14], $0x6000  }
0x45: {  	p0 =	seq.s32 s23, $0x0;
	[sflag:s14] =	ssyncset.done $0x0  }
0x46: {  	s0 =	simm.s32 @!p0 $0x3;
	[sflag:s14] =	ssyncadd.s32 $0xFFFFA000  }
0x47: {  	s2 =	simm.s32 $0x0;
	_ =	swait.ge @!p0 [sflag:s0], $0x6000  }
0x48: {  	s26 =	sand.u32 $0x7800, s2;
	s2 =	sand.u32 $0x380, s2;
	[sflag:s0] =	ssyncset.done @!p0 $0x0  }
0x49: {  	s26 =	sor.u32 s2, s26;
	[sflag:s0] =	ssyncadd.s32 @!p0 $0xFFFFA000  }
0x4a: {  	v1 =	vld [tilespmem:s26+$0x180];
	_ =	sdelay $0x4  }
0x4b: {  	v1 =	vmul.f32 $1.000000000e+01, v1;
	_ =	sdelay $0x1  }
0x4c: {  	v1 =	vadd.f32 $1.000000000e+01, v1;
	_ =	sdelay $0x1  }
0x4d: {  	v2 =	vtrunc.f32 v1  }
0x4e: {  	v3 =	vld [tilespmem:s26+$0x190];
	v2 =	vcvt.f32.s32 v2;
	_ =	sdelay $0x4  }
0x4f: {  	v3 =	vmul.f32 $1.000000000e+01, v3  }
0x50: {  	v4 =	vld.idx.msk [tilespmem:v2+s16+$0x0], $0xffff  }
0x51: {  	v3 =	vadd.f32 $1.000000000e+01, v3;
	v5 =	vcvt.s32.f32 v2  }
0x52: {  	v2 =	vld.idx.msk [tilespmem:v2+s15+$0x0], $0xffff  }
0x53: {  	v1 =	vsub.f32 v1, v5;
	v5 =	vtrunc.f32 v3  }
0x54: {  	v6 =	vld [tilespmem:s26+$0x1A0];
	v5 =	vcvt.f32.s32 v5  }
0x55: {  	v1 =	vmul.f32 v1, v4;
	_ =	sdelay $0x1  }
0x56: {  	v1 =	vadd.f32 v1, v2;
	_ =	sdelay $0x1  }
0x57: {  	[tilespmem:s26+$0xC180] =	vst v1;
	v1 =	vmul.f32 $1.000000000e+01, v6  }
0x58: {  	v2 =	vld.idx.msk [tilespmem:v5+s16+$0x0], $0xffff  }
0x59: {  	v4 =	vcvt.s32.f32 v5;
	v1 =	vadd.f32 $1.000000000e+01, v1  }
0x5a: {  	v5 =	vld.idx.msk [tilespmem:v5+s15+$0x0], $0xffff  }
0x5b: {  	v3 =	vsub.f32 v3, v4;
	v4 =	vtrunc.f32 v1  }
0x5c: {  	v6 =	vld [tilespmem:s26+$0x1B0];
	v4 =	vcvt.f32.s32 v4  }
0x5d: {  	v2 =	vmul.f32 v3, v2;
	_ =	sdelay $0x1  }
0x5e: {  	v2 =	vadd.f32 v2, v5  }
0x5f: {  	s1 =	simm.s32 $0x80;
	s2 =	simm.s32 $0x100  }
0x60: {  	s0 =	sand.u32 $0x7800, s2;
	s2 =	sand.u32 $0x380, s1;
	[tilespmem:s26+$0xC190] =	vst v2;
	v2 =	vmul.f32 $1.000000000e+01, v6  }
0x61: {  	s28 =	sor.u32 s2, s0;
	v3 =	vld.idx.msk [tilespmem:v4+s16+$0x0], $0xffff  }
0x62: {  	v5 =	vld [tilespmem:s28+$0x180];
	v6 =	vcvt.s32.f32 v4;
	v2 =	vadd.f32 $1.000000000e+01, v2  }
0x63: {  	v4 =	vld.idx.msk [tilespmem:v4+s15+$0x0], $0xffff  }
0x64: {  	v1 =	vsub.f32 v1, v6;
	v6 =	vtrunc.f32 v2  }
0x65: {  	v7 =	vld [tilespmem:s26+$0x1C0];
	v6 =	vcvt.f32.s32 v6  }
0x66: {  	v1 =	vmul.f32 v1, v3;
	_ =	sdelay $0x1  }
0x67: {  	v3 =	vmul.f32 $1.000000000e+01, v5;
	v1 =	vadd.f32 v1, v4;
	_ =	sdelay $0x1  }
0x68: {  	[tilespmem:s26+$0xC1A0] =	vst v1;
	v1 =	vadd.f32 $1.000000000e+01, v3;
	v3 =	vmul.f32 $1.000000000e+01, v7  }
0x69: {  	v5 =	vld.idx.msk [tilespmem:v6+s16+$0x0], $0xffff  }
0x6a: {  	v9 =	vcvt.s32.f32 v6;
	v7 =	vld [tilespmem:s28+$0x190];
	v8 =	vtrunc.f32 v1;
	v3 =	vadd.f32 $1.000000000e+01, v3  }
0x6b: {  	v6 =	vld.idx.msk [tilespmem:v6+s15+$0x0], $0xffff;
	v8 =	vcvt.f32.s32 v8  }
0x6c: {  	v4 =	vld [tilespmem:s26+$0x1D0];
	v2 =	vsub.f32 v2, v9;
	v9 =	vtrunc.f32 v3  }
0x6d: {  	v9 =	vcvt.f32.s32 v9  }
0x6e: {  	v2 =	vmul.f32 v2, v5;
	_ =	sdelay $0x1  }
0x6f: {  	v2 =	vadd.f32 v2, v6;
	v6 =	vmul.f32 $1.000000000e+01, v7  }
0x70: {  	v4 =	vmul.f32 $1.000000000e+01, v4;
	v7 =	vld.idx.msk [tilespmem:v8+s16+$0x0], $0xffff  }
0x71: {  	v10 =	vld.idx.msk [tilespmem:v8+s15+$0x0], $0xffff;
	[tilespmem:s26+$0xC1B0] =	vst v2;
	v2 =	vcvt.s32.f32 v8;
	v6 =	vadd.f32 $1.000000000e+01, v6  }
0x72: {  	v4 =	vadd.f32 $1.000000000e+01, v4;
	v8 =	vld.idx.msk [tilespmem:v9+s16+$0x0], $0xffff  }
0x73: {  	v11 =	vld [tilespmem:s28+$0x1A0];
	v12 =	vcvt.s32.f32 v9;
	v1 =	vsub.f32 v1, v2;
	v2 =	vtrunc.f32 v6  }
0x74: {  	v9 =	vld.idx.msk [tilespmem:v9+s15+$0x0], $0xffff;
	v2 =	vcvt.f32.s32 v2  }
0x75: {  	v5 =	vld [tilespmem:s26+$0x1E0];
	v13 =	vtrunc.f32 v4;
	v3 =	vsub.f32 v3, v12;
	v1 =	vmul.f32 v1, v7  }
0x76: {  	v7 =	vcvt.f32.s32 v13  }
0x77: {  	v10 =	vadd.f32 v1, v10;
	v3 =	vmul.f32 v3, v8;
	_ =	sdelay $0x1  }
0x78: {  	v8 =	vmul.f32 $1.000000000e+01, v11;
	[tilespmem:s28+$0xC180] =	vst v10;
	v3 =	vadd.f32 v3, v9  }
0x79: {  	v5 =	vmul.f32 $1.000000000e+01, v5;
	v9 =	vld.idx.msk [tilespmem:v2+s16+$0x0], $0xffff  }
0x7a: {  	v10 =	vld.idx.msk [tilespmem:v2+s15+$0x0], $0xffff;
	v2 =	vcvt.s32.f32 v2;
	[tilespmem:s26+$0xC1C0] =	vst v3;
	v3 =	vadd.f32 $1.000000000e+01, v8  }
0x7b: {  	v5 =	vadd.f32 $1.000000000e+01, v5;
	v8 =	vld.idx.msk [tilespmem:v7+s16+$0x0], $0xffff  }
0x7c: {  	v11 =	vld [tilespmem:s28+$0x1B0];
	v12 =	vcvt.s32.f32 v7;
	v2 =	vsub.f32 v6, v2;
	v6 =	vtrunc.f32 v3  }
0x7d: {  	v7 =	vld.idx.msk [tilespmem:v7+s15+$0x0], $0xffff;
	v6 =	vcvt.f32.s32 v6  }
0x7e: {  	v13 =	vtrunc.f32 v5;
	v4 =	vsub.f32 v4, v12;
	v2 =	vmul.f32 v2, v9;
	v9 =	vld [tilespmem:s26+$0x1F0]  }
0x7f: {  	s1 =	simm.s32 $0x100;
	s2 =	simm.s32 $0x200;
	v12 =	vcvt.f32.s32 v13  }
0x80: {  	s0 =	sand.u32 $0x7800, s2;
	s2 =	sand.u32 $0x380, s1;
	v2 =	vadd.f32 v2, v10;
	v4 =	vmul.f32 v4, v8  }
0x81: {  	s29 =	sor.u32 s2, s0  }
0x82: {  	v10 =	vld [tilespmem:s29+$0x180];
	[tilespmem:s28+$0xC190] =	vst v2;
	v2 =	vadd.f32 v4, v7;
	v4 =	vmul.f32 $1.000000000e+01, v11  }
0x83: {  	v7 =	vld.idx.msk [tilespmem:v6+s16+$0x0], $0xffff;
	v9 =	vmul.f32 $1.000000000e+01, v9  }
0x84: {  	v11 =	vld.idx.msk [tilespmem:v6+s15+$0x0], $0xffff;
	[tilespmem:s26+$0xC1D0] =	vst v2;
	v2 =	vcvt.s32.f32 v6;
	v4 =	vadd.f32 $1.000000000e+01, v4  }
0x85: {  	v6 =	vld.idx.msk [tilespmem:v12+s16+$0x0], $0xffff;
	v9 =	vadd.f32 $1.000000000e+01, v9  }
0x86: {  	v13 =	vld.idx.msk [tilespmem:v12+s15+$0x0], $0xffff;
	v12 =	vcvt.s32.f32 v12;
	v2 =	vsub.f32 v3, v2;
	v3 =	vtrunc.f32 v4  }
0x87: {  	v14 =	vld [tilespmem:s28+$0x1C0];
	v3 =	vcvt.f32.s32 v3  }
0x88: {  	v15 =	vtrunc.f32 v9;
	v5 =	vsub.f32 v5, v12;
	v2 =	vmul.f32 v2, v7;
	v7 =	vld [tilespmem:s26+$0x580]  }
0x89: {  	v10 =	vmul.f32 $1.000000000e+01, v10;
	v12 =	vcvt.f32.s32 v15  }
0x8a: {  	v11 =	vadd.f32 v2, v11;
	v5 =	vmul.f32 v5, v6  }
0x8b: {  	v21 =	vld [tilespmem:s26+$0x5B0];
	v10 =	vadd.f32 $1.000000000e+01, v10  }
0x8c: {  	v15 =	vld [tilespmem:s29+$0x190];
	[tilespmem:s28+$0xC1A0] =	vst v11;
	v5 =	vadd.f32 v5, v13;
	v11 =	vmul.f32 $1.000000000e+01, v14  }
0x8d: {  	v14 =	vtrunc.f32 v10;
	v13 =	vld.idx.msk [tilespmem:v3+s16+$0x0], $0xffff;
	v7 =	vmul.f32 $1.000000000e+01, v7  }
0x8e: {  	v16 =	vld.idx.msk [tilespmem:v3+s15+$0x0], $0xffff;
	v3 =	vcvt.s32.f32 v3;
	[tilespmem:s26+$0xC1E0] =	vst v5;
	v5 =	vadd.f32 $1.000000000e+01, v11;
	v11 =	vcvt.f32.s32 v14  }
0x8f: {  	v17 =	vcvt.s32.f32 v12;
	v14 =	vld.idx.msk [tilespmem:v12+s16+$0x0], $0xffff  }
0x90: {  	v6 =	vld [tilespmem:s28+$0x1D0];
	v7 =	vadd.f32 $1.000000000e+01, v7;
	v3 =	vsub.f32 v4, v3;
	v4 =	vtrunc.f32 v5  }
0x91: {  	v12 =	vld.idx.msk [tilespmem:v12+s15+$0x0], $0xffff;
	v4 =	vcvt.f32.s32 v4  }
0x92: {  	v8 =	vld [tilespmem:s26+$0x590];
	v9 =	vsub.f32 v9, v17;
	v19 =	vtrunc.f32 v7;
	v3 =	vmul.f32 v3, v13  }
0x93: {  	v18 =	vld [tilespmem:s28+$0x1E0];
	v13 =	vcvt.f32.s32 v19  }
0x94: {  	v15 =	vmul.f32 $1.000000000e+01, v15;
	v3 =	vadd.f32 v3, v16;
	v9 =	vmul.f32 v9, v14;
	v14 =	vld.idx.msk [tilespmem:v11+s16+$0x0], $0xffff  }
0x95: {  	v19 =	vcvt.s32.f32 v11;
	v16 =	vld [tilespmem:s29+$0x1A0]  }
0x96: {  	v6 =	vmul.f32 $1.000000000e+01, v6;
	v11 =	vld.idx.msk [tilespmem:v11+s15+$0x0], $0xffff;
	[tilespmem:s28+$0xC1B0] =	vst v3;
	v3 =	vadd.f32 v9, v12;
	v9 =	vadd.f32 $1.000000000e+01, v15  }
0x97: {  	v8 =	vmul.f32 $1.000000000e+01, v8;
	v10 =	vsub.f32 v10, v19;
	v12 =	vld.idx.msk [tilespmem:v4+s16+$0x0], $0xffff  }
0x98: {  	v6 =	vadd.f32 $1.000000000e+01, v6;
	v15 =	vld.idx.msk [tilespmem:v4+s15+$0x0], $0xffff;
	v4 =	vcvt.s32.f32 v4;
	[tilespmem:s26+$0xC1F0] =	vst v3;
	v3 =	vtrunc.f32 v9  }
0x99: {  	v8 =	vadd.f32 $1.000000000e+01, v8;
	v19 =	vld.idx.msk [tilespmem:v13+s16+$0x0], $0xffff;
	v20 =	vcvt.f32.s32 v3;
	v3 =	vmul.f32 v10, v14  }
0x9a: {  	s1 =	simm.s32 $0x180;
	v22 =	vld [tilespmem:s28+$0x580];
	s2 =	simm.s32 $0x300;
	v10 =	vtrunc.f32 v6;
	v4 =	vsub.f32 v5, v4;
	v5 =	vcvt.s32.f32 v13  }
0x9b: {  	s0 =	sand.u32 $0x7800, s2;
	s2 =	sand.u32 $0x380, s1;
	v13 =	vld.idx.msk [tilespmem:v13+s15+$0x0], $0xffff;
	v14 =	vtrunc.f32 v8;
	v10 =	vcvt.f32.s32 v10  }
0x9c: {  	s30 =	sor.u32 s2, s0;
	v1 =	vld [tilespmem:s26+$0x5A0];
	v11 =	vadd.f32 v3, v11;
	v5 =	vsub.f32 v7, v5;
	v4 =	vmul.f32 v4, v12  }
0x9d: {  	v25 =	vld [tilespmem:s30+$0x1A0];
	v7 =	vcvt.f32.s32 v14  }
0x9e: {  	v12 =	vmul.f32 $1.000000000e+01, v16;
	[tilespmem:s29+$0xC180] =	vst v11;
	v11 =	vld [tilespmem:s29+$0x1B0];
	v4 =	vadd.f32 v4, v15;
	v5 =	vmul.f32 v5, v19  }
0x9f: {  	v14 =	vmul.f32 $1.000000000e+01, v18;
	v15 =	vld.idx.msk [tilespmem:v20+s16+$0x0], $0xffff  }
0xa0: {  	v12 =	vadd.f32 $1.000000000e+01, v12;
	v16 =	vld.idx.msk [tilespmem:v20+s15+$0x0], $0xffff;
	[tilespmem:s28+$0xC1C0] =	vst v4;
	v4 =	vadd.f32 v5, v13;
	v5 =	vcvt.s32.f32 v20  }
0xa1: {  	v1 =	vmul.f32 $1.000000000e+01, v1;
	v14 =	vadd.f32 $1.000000000e+01, v14;
	v13 =	vld.idx.msk [tilespmem:v10+s16+$0x0], $0xffff  }
0xa2: {  	v18 =	vld.idx.msk [tilespmem:v10+s15+$0x0], $0xffff;
	[tilespmem:s26+$0xC580] =	vst v4;
	v4 =	vsub.f32 v9, v5;
	v5 =	vtrunc.f32 v12;
	v9 =	vcvt.s32.f32 v10  }
0xa3: {  	v1 =	vadd.f32 $1.000000000e+01, v1;
	v19 =	vtrunc.f32 v14;
	v10 =	vld.idx.msk [tilespmem:v7+s16+$0x0], $0xffff;
	v5 =	vcvt.f32.s32 v5  }
0xa4: {  	v20 =	vld.idx.msk [tilespmem:v7+s15+$0x0], $0xffff;
	v7 =	vcvt.s32.f32 v7;
	v4 =	vmul.f32 v4, v15;
	v6 =	vsub.f32 v6, v9  }
0xa5: {  	v2 =	vld [tilespmem:s26+$0x5D0];
	v9 =	vtrunc.f32 v1;
	v15 =	vcvt.f32.s32 v19  }
0xa6: {  	v19 =	vld [tilespmem:s28+$0x1F0];
	v7 =	vsub.f32 v8, v7;
	v4 =	vadd.f32 v4, v16;
	v6 =	vmul.f32 v6, v13  }
0xa7: {  	v17 =	vld [tilespmem:s26+$0x5C0];
	v9 =	vcvt.f32.s32 v9  }
0xa8: {  	v13 =	vld [tilespmem:s30+$0x180];
	[tilespmem:s29+$0xC190] =	vst v4;
	v4 =	vadd.f32 v6, v18;
	v6 =	vmul.f32 v7, v10;
	v10 =	vmul.f32 $1.000000000e+01, v11  }
0xa9: {  	v7 =	vld.idx.msk [tilespmem:v5+s16+$0x0], $0xffff  }
0xaa: {  	v11 =	vld.idx.msk [tilespmem:v5+s15+$0x0], $0xffff;
	v5 =	vcvt.s32.f32 v5;
	[tilespmem:s28+$0xC1D0] =	vst v4;
	v10 =	vadd.f32 $1.000000000e+01, v10  }
0xab: {  	v4 =	vmul.f32 $1.000000000e+01, v19;
	v6 =	vadd.f32 v6, v20;
	v16 =	vld.idx.msk [tilespmem:v15+s16+$0x0], $0xffff  }
0xac: {  	v18 =	vld.idx.msk [tilespmem:v15+s15+$0x0], $0xffff;
	v5 =	vsub.f32 v12, v5;
	v15 =	vcvt.s32.f32 v15;
	v12 =	vtrunc.f32 v10  }
0xad: {  	v4 =	vadd.f32 $1.000000000e+01, v4;
	[tilespmem:s26+$0xC590] =	vst v6;
	v6 =	vmul.f32 $1.000000000e+01, v21;
	v21 =	vld [tilespmem:s29+$0x1C0];
	v20 =	vcvt.f32.s32 v12  }
0xae: {  	v19 =	vld.idx.msk [tilespmem:v9+s16+$0x0], $0xffff;
	v5 =	vmul.f32 v5, v7;
	v7 =	vsub.f32 v14, v15  }
0xaf: {  	v3 =	vld [tilespmem:s28+$0x5A0];
	v12 =	vtrunc.f32 v4;
	v6 =	vadd.f32 $1.000000000e+01, v6;
	v14 =	vcvt.s32.f32 v9  }
0xb0: {  	v9 =	vld.idx.msk [tilespmem:v9+s15+$0x0], $0xffff;
	v15 =	vcvt.f32.s32 v12;
	v5 =	vadd.f32 v5, v11;
	v7 =	vmul.f32 v7, v16  }
0xb1: {  	v8 =	vld [tilespmem:s28+$0x590];
	v23 =	vtrunc.f32 v6;
	v1 =	vsub.f32 v1, v14;
	v11 =	vmul.f32 $1.000000000e+01, v13  }
0xb2: {  	v12 =	vld [tilespmem:s28+$0x5D0];
	v14 =	vcvt.f32.s32 v23;
	[tilespmem:s29+$0xC1A0] =	vst v5;
	v5 =	vadd.f32 v7, v18  }
0xb3: {  	v1 =	vmul.f32 v1, v19;
	v7 =	vadd.f32 $1.000000000e+01, v11;
	v18 =	vmul.f32 $1.000000000e+01, v21;
	v11 =	vld.idx.msk [tilespmem:v20+s16+$0x0], $0xffff  }
0xb4: {  	v19 =	vld.idx.msk [tilespmem:v20+s15+$0x0], $0xffff;
	v20 =	vcvt.s32.f32 v20;
	[tilespmem:s28+$0xC1E0] =	vst v5;
	v5 =	vmul.f32 $1.000000000e+01, v22  }
0xb5: {  	v16 =	vld [tilespmem:s30+$0x190];
	v1 =	vadd.f32 v1, v9;
	v9 =	vtrunc.f32 v7;
	v18 =	vadd.f32 $1.000000000e+01, v18  }
0xb6: {  	v17 =	vmul.f32 $1.000000000e+01, v17;
	v21 =	vld.idx.msk [tilespmem:v15+s16+$0x0], $0xffff;
	v9 =	vcvt.f32.s32 v9;
	v5 =	vadd.f32 $1.000000000e+01, v5  }
0xb7: {  	v22 =	vld.idx.msk [tilespmem:v15+s15+$0x0], $0xffff;
	v10 =	vsub.f32 v10, v20;
	[tilespmem:s26+$0xC5A0] =	vst v1;
	v1 =	vcvt.s32.f32 v15;
	v15 =	vtrunc.f32 v18  }
0xb8: {  	v17 =	vadd.f32 $1.000000000e+01, v17;
	v20 =	vld.idx.msk [tilespmem:v14+s16+$0x0], $0xffff;
	v15 =	vcvt.f32.s32 v15;
	v24 =	vtrunc.f32 v5  }
0xb9: {  	v13 =	vld [tilespmem:s29+$0x1D0];
	v4 =	vsub.f32 v4, v1;
	v10 =	vmul.f32 v10, v11;
	v11 =	vcvt.s32.f32 v14  }
0xba: {  	v2 =	vmul.f32 $1.000000000e+01, v2;
	v14 =	vld.idx.msk [tilespmem:v14+s15+$0x0], $0xffff;
	v24 =	vcvt.f32.s32 v24  }
0xbb: {  	v23 =	vld [tilespmem:s29+$0x1E0];
	v4 =	vmul.f32 v4, v21;
	v21 =	vtrunc.f32 v17;
	v6 =	vsub.f32 v6, v11  }
0xbc: {  	v16 =	vmul.f32 $1.000000000e+01, v16;
	v10 =	vadd.f32 v10, v19;
	v11 =	vld.idx.msk [tilespmem:v9+s16+$0x0], $0xffff;
	v19 =	vcvt.f32.s32 v21  }
0xbd: {  	v26 =	vadd.f32 $1.000000000e+01, v2;
	v21 =	vld.idx.msk [tilespmem:v9+s15+$0x0], $0xffff;
	v9 =	vcvt.s32.f32 v9;
	v6 =	vmul.f32 v6, v20  }
0xbe: {  	v1 =	vld [tilespmem:s28+$0x5C0];
	v4 =	vadd.f32 v4, v22;
	[tilespmem:s29+$0xC1B0] =	vst v10;
	v10 =	vmul.f32 $1.000000000e+01, v13;
	v13 =	vadd.f32 $1.000000000e+01, v16  }
0xbf: {  	v8 =	vmul.f32 $1.000000000e+01, v8;
	v16 =	vld.idx.msk [tilespmem:v15+s16+$0x0], $0xffff;
	v7 =	vsub.f32 v7, v9;
	v6 =	vadd.f32 v6, v14  }
0xc0: {  	v20 =	vld.idx.msk [tilespmem:v15+s15+$0x0], $0xffff;
	[tilespmem:s28+$0xC1F0] =	vst v4;
	v9 =	vadd.f32 $1.000000000e+01, v10;
	v10 =	vtrunc.f32 v13;
	v14 =	vcvt.s32.f32 v15  }
0xc1: {  	v8 =	vadd.f32 $1.000000000e+01, v8;
	v15 =	vld.idx.msk [tilespmem:v24+s16+$0x0], $0xffff;
	v10 =	vcvt.f32.s32 v10;
	v7 =	vmul.f32 v7, v11  }
0xc2: {  	v22 =	vld.idx.msk [tilespmem:v24+s15+$0x0], $0xffff;
	[tilespmem:s26+$0xC5B0] =	vst v6;
	v6 =	vtrunc.f32 v9;
	v11 =	vsub.f32 v18, v14;
	v14 =	vcvt.s32.f32 v24  }
0xc3: {  	v4 =	vtrunc.f32 v8;
	v18 =	vld.idx.msk [tilespmem:v19+s16+$0x0], $0xffff;
	v61 =	vcvt.f32.s32 v6;
	v2 =	vadd.f32 v7, v21  }
0xc4: {  	v6 =	vld [tilespmem:s28+$0x5B0];
	v7 =	vcvt.s32.f32 v19;
	v11 =	vmul.f32 v11, v16;
	v14 =	vsub.f32 v5, v14  }
0xc5: {  	v4 =	vcvt.f32.s32 v4;
	v16 =	vld.idx.msk [tilespmem:v19+s15+$0x0], $0xffff;
	v19 =	vtrunc.f32 v26  }
0xc6: {  	v5 =	vld [tilespmem:s29+$0x5A0];
	[tilespmem:s30+$0xC180] =	vst v2;
	v2 =	vadd.f32 v11, v20;
	v11 =	vmul.f32 v14, v15;
	v7 =	vsub.f32 v17, v7  }
0xc7: {  	v21 =	vld [tilespmem:s30+$0x1B0];
	v14 =	vmul.f32 $1.000000000e+01, v25;
	v17 =	vcvt.f32.s32 v19  }
0xc8: {  	v19 =	vmul.f32 $1.000000000e+01, v23;
	v15 =	vld.idx.msk [tilespmem:v10+s16+$0x0], $0xffff;
	[tilespmem:s29+$0xC1C0] =	vst v2;
	v2 =	vadd.f32 v11, v22;
	v7 =	vmul.f32 v7, v18  }
0xc9: {  	v20 =	vld.idx.msk [tilespmem:v10+s15+$0x0], $0xffff;
	v11 =	vcvt.s32.f32 v10;
	v14 =	vadd.f32 $1.000000000e+01, v14  }
0xca: {  	v10 =	vadd.f32 $1.000000000e+01, v19;
	v18 =	vld.idx.msk [tilespmem:v61+s16+$0x0], $0xffff;
	[tilespmem:s28+$0xC580] =	vst v2;
	v2 =	vadd.f32 v7, v16  }
0xcb: {  	v22 =	vld.idx.msk [tilespmem:v61+s15+$0x0], $0xffff;
	v7 =	vsub.f32 v13, v11;
	v11 =	vtrunc.f32 v14;
	v13 =	vcvt.s32.f32 v61  }
0xcc: {  	v3 =	vmul.f32 $1.000000000e+01, v3;
	v16 =	vld.idx.msk [tilespmem:v4+s16+$0x0], $0xffff;
	v23 =	vcvt.f32.s32 v11  }
0xcd: {  	v11 =	vtrunc.f32 v10;
	v62 =	vld.idx.msk [tilespmem:v4+s15+$0x0], $0xffff;
	v4 =	vcvt.s32.f32 v4;
	v9 =	vsub.f32 v9, v13  }
0xce: {  	[tilespmem:s26+$0xC5C0] =	vst v2;
	v2 =	vmul.f32 v7, v15;
	v7 =	vadd.f32 $1.000000000e+01, v3;
	v13 =	vcvt.f32.s32 v11;
	v3 =	vld [tilespmem:s29+$0x1F0]  }
0xcf: {  	s1 =	simm.s32 $0x400;
	s2 =	simm.s32 $0x200;
	v11 =	vcvt.s32.f32 v17;
	v15 =	vld.idx.msk [tilespmem:v17+s16+$0x0], $0xffff;
	v9 =	vmul.f32 v9, v18  }
0xd0: {  	s0 =	sand.u32 $0x7800, s1;
	s31 =	sand.u32 $0x380, s2;
	v4 =	vsub.f32 v8, v4;
	v19 =	vadd.f32 v2, v20;
	v2 =	vld.idx.msk [tilespmem:v17+s15+$0x0], $0xffff;
	v17 =	vtrunc.f32 v7  }
0xd1: {  	s31 =	sor.u32 s31, s0;
	v8 =	vld [tilespmem:s29+$0x590];
	v22 =	vadd.f32 v9, v22;
	v9 =	vcvt.f32.s32 v17  }
0xd2: {  	v20 =	vld [tilespmem:s31+$0x180];
	[tilespmem:s30+$0xC190] =	vst v19;
	v4 =	vmul.f32 v4, v16;
	v16 =	vsub.f32 v26, v11  }
0xd3: {  	v63 =	vmul.f32 $1.000000000e+01, v21;
	v19 =	vld.idx.msk [tilespmem:v23+s16+$0x0], $0xffff  }
0xd4: {  	v18 =	vld.idx.msk [tilespmem:v23+s15+$0x0], $0xffff;
	v17 =	vmul.f32 $1.000000000e+01, v3;
	[tilespmem:s29+$0xC1D0] =	vst v22;
	v11 =	vadd.f32 v4, v62;
	v4 =	vmul.f32 v16, v15  }
0xd5: {  	s0 =	simm.s32 $0x500;
	v21 =	vcvt.s32.f32 v23;
	v3 =	vmul.f32 $1.000000000e+01, v12;
	v15 =	vadd.f32 $1.000000000e+01, v63;
	v16 =	vld.idx.msk [tilespmem:v13+s16+$0x0], $0xffff  }
.LBB2_3:
0xd6: {  	p1 =	sne.s32 s0, $0x5F00;
	v22 =	vld.idx.msk [tilespmem:v13+s15+$0x0], $0xffff;
	v17 =	vadd.f32 $1.000000000e+01, v17;
	[tilespmem:s28+$0xC590] =	vst v11;
	v6 =	vmul.f32 $1.000000000e+01, v6;
	v2 =	vadd.f32 v4, v2  }
0xd7: {  	v12 =	vcvt.s32.f32 v13;
	v4 =	vsub.f32 v14, v21;
	v11 =	vtrunc.f32 v15;
	v13 =	vld.idx.msk [tilespmem:v9+s16+$0x0], $0xffff  }
0xd8: {  	v11 =	vcvt.f32.s32 v11;
	v14 =	vld [tilespmem:s30+$0x1C0];
	v21 =	vtrunc.f32 v17;
	v6 =	vadd.f32 $1.000000000e+01, v6;
	[tilespmem:s26+$0xC5D0] =	vst v2;
	s26 =	smov.u32 s28;
	s28 =	smov.u32 s29;
	s29 =	smov.u32 s30  }
0xd9: {  	s30 =	smov.u32 s31;
	v2 =	vmul.f32 v4, v19;
	v4 =	vsub.f32 v10, v12;
	v10 =	vcvt.s32.f32 v9;
	v9 =	vld.idx.msk [tilespmem:v9+s15+$0x0], $0xffff  }
0xda: {  	v19 =	vcvt.f32.s32 v21;
	v21 =	vld [tilespmem:s28+$0x580];
	v23 =	vtrunc.f32 v6  }
0xdb: {  	v2 =	vadd.f32 v2, v18;
	v4 =	vmul.f32 v4, v16;
	v12 =	vld [tilespmem:s28+$0x5D0];
	v7 =	vsub.f32 v7, v10  }
0xdc: {  	v10 =	vmul.f32 $1.000000000e+01, v20;
	v18 =	vcvt.f32.s32 v23;
	v16 =	vld [tilespmem:s29+$0x1D0]  }
0xdd: {  	v1 =	vmul.f32 $1.000000000e+01, v1;
	v20 =	vld [tilespmem:s30+$0x190];
	[tilespmem:s29+$0xC1A0] =	vst v2;
	v2 =	vadd.f32 v4, v22;
	v4 =	vmul.f32 v7, v13  }
0xde: {  	v7 =	vadd.f32 $1.000000000e+01, v10;
	v13 =	vmul.f32 $1.000000000e+01, v14;
	v14 =	vmul.f32 $1.000000000e+01, v5;
	v10 =	vld.idx.msk [tilespmem:v11+s16+$0x0], $0xffff  }
0xdf: {  	v8 =	vmul.f32 $1.000000000e+01, v8;
	v5 =	vld.idx.msk [tilespmem:v11+s15+$0x0], $0xffff;
	[tilespmem:s28+$0xC1E0] =	vst v2;
	v2 =	vmul.f32 $1.000000000e+01, v21;
	v4 =	vadd.f32 v4, v9  }
0xe0: {  	v9 =	vtrunc.f32 v7;
	v11 =	vcvt.s32.f32 v11;
	v13 =	vadd.f32 $1.000000000e+01, v13;
	v21 =	vld.idx.msk [tilespmem:v19+s16+$0x0], $0xffff  }
0xe1: {  	v9 =	vcvt.f32.s32 v9;
	v16 =	vmul.f32 $1.000000000e+01, v16;
	v22 =	vld.idx.msk [tilespmem:v19+s15+$0x0], $0xffff;
	v2 =	vadd.f32 $1.000000000e+01, v2;
	[tilespmem:s26+$0xC5A0] =	vst v4  }
0xe2: {  	v4 =	vsub.f32 v15, v11;
	v11 =	vtrunc.f32 v13;
	v15 =	vcvt.s32.f32 v19;
	v19 =	vld.idx.msk [tilespmem:v18+s16+$0x0], $0xffff  }
0xe3: {  	v25 =	vadd.f32 $1.000000000e+01, v1;
	v11 =	vcvt.f32.s32 v11;
	v23 =	vld [tilespmem:s29+$0x1E0];
	v24 =	vtrunc.f32 v2  }
0xe4: {  	v4 =	vmul.f32 v4, v10;
	v10 =	vsub.f32 v17, v15;
	v15 =	vcvt.s32.f32 v18;
	v17 =	vld.idx.msk [tilespmem:v18+s15+$0x0], $0xffff  }
0xe5: {  	v18 =	vcvt.f32.s32 v24;
	v24 =	vtrunc.f32 v25;
	v1 =	vld [tilespmem:s28+$0x5C0]  }
0xe6: {  	v4 =	vadd.f32 v4, v5;
	v5 =	vmul.f32 v10, v21;
	v6 =	vsub.f32 v6, v15;
	v26 =	vld [tilespmem:s30+$0x1A0]  }
0xe7: {  	v15 =	vmul.f32 $1.000000000e+01, v20;
	v20 =	vcvt.f32.s32 v24;
	v10 =	vld.idx.msk [tilespmem:v9+s16+$0x0], $0xffff  }
0xe8: {  	v8 =	vadd.f32 $1.000000000e+01, v8;
	v21 =	vld.idx.msk [tilespmem:v9+s15+$0x0], $0xffff;
	[tilespmem:s29+$0xC1B0] =	vst v4;
	v4 =	vadd.f32 v5, v22;
	v5 =	vmul.f32 v6, v19  }
0xe9: {  	v6 =	vcvt.s32.f32 v9;
	v9 =	vadd.f32 $1.000000000e+01, v15;
	v19 =	vmul.f32 $1.000000000e+01, v23;
	v15 =	vld.idx.msk [tilespmem:v11+s16+$0x0], $0xffff  }
0xea: {  	v16 =	vadd.f32 $1.000000000e+01, v16;
	v22 =	vld.idx.msk [tilespmem:v11+s15+$0x0], $0xffff;
	[tilespmem:s28+$0xC1F0] =	vst v4;
	v4 =	vtrunc.f32 v8;
	v5 =	vadd.f32 v5, v17  }
0xeb: {  	v6 =	vsub.f32 v7, v6;
	v7 =	vtrunc.f32 v9;
	v11 =	vcvt.s32.f32 v11;
	v17 =	vld.idx.msk [tilespmem:v18+s16+$0x0], $0xffff  }
0xec: {  	v23 =	vcvt.f32.s32 v7;
	v7 =	vtrunc.f32 v16;
	v24 =	vld.idx.msk [tilespmem:v18+s15+$0x0], $0xffff;
	[tilespmem:s26+$0xC5B0] =	vst v5  }
0xed: {  	v5 =	vmul.f32 v6, v10;
	v10 =	vsub.f32 v13, v11;
	v11 =	vcvt.s32.f32 v18;
	v13 =	vld.idx.msk [tilespmem:v20+s16+$0x0], $0xffff  }
0xee: {  	v3 =	vadd.f32 $1.000000000e+01, v3;
	v18 =	vcvt.f32.s32 v7;
	v7 =	vcvt.s32.f32 v20;
	v6 =	vld [tilespmem:s28+$0x5B0]  }
0xef: {  	v21 =	vadd.f32 v5, v21;
	v10 =	vmul.f32 v10, v15;
	v2 =	vsub.f32 v2, v11;
	v11 =	vld.idx.msk [tilespmem:v20+s15+$0x0], $0xffff  }
0xf0: {  	v4 =	vcvt.f32.s32 v4;
	v15 =	vtrunc.f32 v3;
	v5 =	vld [tilespmem:s29+$0x5A0]  }
0xf1: {  	v10 =	vadd.f32 v10, v22;
	v2 =	vmul.f32 v2, v17;
	v17 =	vsub.f32 v25, v7;
	[tilespmem:s30+$0xC180] =	vst v21;
	v21 =	vld [tilespmem:s30+$0x1B0]  }
0xf2: {  	v15 =	vcvt.f32.s32 v15;
	v22 =	vmul.f32 $1.000000000e+01, v26;
	v20 =	vld.idx.msk [tilespmem:v23+s16+$0x0], $0xffff  }
0xf3: {  	v7 =	vadd.f32 $1.000000000e+01, v14;
	v2 =	vadd.f32 v2, v24;
	v13 =	vmul.f32 v17, v13;
	v25 =	vld.idx.msk [tilespmem:v23+s15+$0x0], $0xffff;
	[tilespmem:s29+$0xC1C0] =	vst v10  }
0xf4: {  	v17 =	vcvt.s32.f32 v23;
	v14 =	vadd.f32 $1.000000000e+01, v22;
	v22 =	vld.idx.msk [tilespmem:v18+s16+$0x0], $0xffff  }
0xf5: {  	v10 =	vadd.f32 $1.000000000e+01, v19;
	v19 =	vtrunc.f32 v7;
	v23 =	vld.idx.msk [tilespmem:v18+s15+$0x0], $0xffff;
	[tilespmem:s28+$0xC580] =	vst v2;
	v2 =	vadd.f32 v13, v11  }
0xf6: {  	v9 =	vsub.f32 v9, v17;
	v11 =	vtrunc.f32 v14;
	v13 =	vcvt.s32.f32 v18;
	v17 =	vld.idx.msk [tilespmem:v4+s16+$0x0], $0xffff  }
0xf7: {  	v24 =	vcvt.f32.s32 v11;
	v11 =	vtrunc.f32 v10;
	v26 =	vld.idx.msk [tilespmem:v4+s15+$0x0], $0xffff;
	[tilespmem:s26+$0xC5C0] =	vst v2  }
0xf8: {  	v2 =	vmul.f32 v9, v20;
	v9 =	vsub.f32 v16, v13;
	v4 =	vcvt.s32.f32 v4;
	v16 =	vld.idx.msk [tilespmem:v15+s16+$0x0], $0xffff  }
0xf9: {  	s2 =	sadd.s32 $0x80, s2;
	v18 =	vcvt.s32.f32 v15;
	v13 =	vcvt.f32.s32 v11;
	v11 =	vld [tilespmem:s29+$0x1F0]  }
0xfa: {  	s1 =	sand.u32 $0x380, s2;
	s31 =	sand.u32 $0x7800, s0;
	v25 =	vadd.f32 v2, v25;
	v22 =	vmul.f32 v9, v22;
	v4 =	vsub.f32 v8, v4;
	v2 =	vld.idx.msk [tilespmem:v15+s15+$0x0], $0xffff  }
.Ltmp0:
0xfb: {  	s31 =	sor.u32 s1, s31;
	v9 =	vcvt.f32.s32 v19;
	v8 =	vld [tilespmem:s29+$0x590];
	(pc) =	sbr.rel @p1 .LBB2_3-.Ltmp0, $4  }
0xfc: {  	v3 =	vsub.f32 v3, v18;
	v15 =	vadd.f32 v22, v23;
	v4 =	vmul.f32 v4, v17;
	v20 =	vld [tilespmem:s31+$0x180];
	[tilespmem:s30+$0xC190] =	vst v25  }
0xfd: {  	v22 =	vmul.f32 $1.000000000e+01, v21;
	v19 =	vld.idx.msk [tilespmem:v24+s16+$0x0], $0xffff  }
0xfe: {  	v18 =	vld.idx.msk [tilespmem:v24+s15+$0x0], $0xffff;
	[tilespmem:s29+$0xC1D0] =	vst v15;
	v17 =	vmul.f32 $1.000000000e+01, v11;
	v11 =	vadd.f32 v4, v26;
	v4 =	vmul.f32 v3, v16  }
0xff: {  	s0 =	sadd.s32 $0x100, s0;
	v21 =	vcvt.s32.f32 v24;
	v15 =	vadd.f32 $1.000000000e+01, v22;
	v3 =	vmul.f32 $1.000000000e+01, v12;
	v16 =	vld.idx.msk [tilespmem:v13+s16+$0x0], $0xffff  }
0x100: {  	_ = 	snop  }
0x101: {  	v12 =	vmul.f32 $1.000000000e+01, v20;
	_ =	sdelay $0x1  }
0x102: {  	v12 =	vadd.f32 $1.000000000e+01, v12;
	_ =	sdelay $0x1  }
0x103: {  	v32 =	vtrunc.f32 v12  }
0x104: {  	v22 =	vld [tilespmem:s31+$0x190];
	v20 =	vcvt.f32.s32 v32;
	_ =	sdelay $0x4  }
0x105: {  	v22 =	vmul.f32 $1.000000000e+01, v22  }
0x106: {  	v23 =	vld.idx.msk [tilespmem:v20+s16+$0x0], $0xffff  }
0x107: {  	v22 =	vadd.f32 $1.000000000e+01, v22;
	v24 =	vcvt.s32.f32 v20  }
0x108: {  	v20 =	vld.idx.msk [tilespmem:v20+s15+$0x0], $0xffff  }
0x109: {  	v33 =	vtrunc.f32 v22;
	v12 =	vsub.f32 v12, v24  }
0x10a: {  	v25 =	vld [tilespmem:s31+$0x1A0];
	v24 =	vcvt.f32.s32 v33  }
0x10b: {  	v12 =	vmul.f32 v12, v23;
	_ =	sdelay $0x1  }
0x10c: {  	v12 =	vadd.f32 v12, v20;
	_ =	sdelay $0x1  }
0x10d: {  	v34 =	vmul.f32 $1.000000000e+01, v25;
	[tilespmem:s31+$0xC180] =	vst v12  }
0x10e: {  	v35 =	vld.idx.msk [tilespmem:v24+s16+$0x0], $0xffff  }
0x10f: {  	v36 =	vcvt.s32.f32 v24;
	v12 =	vadd.f32 $1.000000000e+01, v34  }
0x110: {  	v24 =	vld.idx.msk [tilespmem:v24+s15+$0x0], $0xffff  }
0x111: {  	v22 =	vsub.f32 v22, v36;
	v37 =	vtrunc.f32 v12  }
0x112: {  	v38 =	vld [tilespmem:s31+$0x1B0];
	v23 =	vcvt.f32.s32 v37  }
0x113: {  	v20 =	vmul.f32 v22, v35;
	_ =	sdelay $0x1  }
0x114: {  	v20 =	vadd.f32 v20, v24;
	_ =	sdelay $0x1  }
0x115: {  	v39 =	vmul.f32 $1.000000000e+01, v38;
	[tilespmem:s31+$0xC190] =	vst v20  }
0x116: {  	v41 =	vld.idx.msk [tilespmem:v23+s16+$0x0], $0xffff  }
0x117: {  	v43 =	vcvt.s32.f32 v23;
	v20 =	vadd.f32 $1.000000000e+01, v39  }
0x118: {  	v14 =	vsub.f32 v14, v21;
	v40 =	vtrunc.f32 v15;
	v44 =	vld.idx.msk [tilespmem:v23+s15+$0x0], $0xffff  }
0x119: {  	v42 =	vld [tilespmem:s30+$0x1C0];
	v21 =	vcvt.f32.s32 v40;
	v12 =	vsub.f32 v12, v43;
	v45 =	vtrunc.f32 v20  }
0x11a: {  	v47 =	vld [tilespmem:s31+$0x1C0];
	v14 =	vmul.f32 v14, v19;
	v46 =	vcvt.f32.s32 v45  }
0x11b: {  	v12 =	vmul.f32 v12, v41  }
0x11c: {  	v14 =	vadd.f32 v14, v18  }
0x11d: {  	v12 =	vadd.f32 v12, v44  }
0x11e: {  	v49 =	vmul.f32 $1.000000000e+01, v42;
	[tilespmem:s30+$0xC1A0] =	vst v14  }
0x11f: {  	v53 =	vmul.f32 $1.000000000e+01, v47;
	v50 =	vld.idx.msk [tilespmem:v21+s16+$0x0], $0xffff;
	[tilespmem:s31+$0xC1A0] =	vst v12  }
0x120: {  	v51 =	vcvt.s32.f32 v21;
	v14 =	vadd.f32 $1.000000000e+01, v49;
	v56 =	vld.idx.msk [tilespmem:v46+s16+$0x0], $0xffff  }
0x121: {  	v21 =	vld.idx.msk [tilespmem:v21+s15+$0x0], $0xffff;
	v26 =	vcvt.s32.f32 v46;
	v12 =	vadd.f32 $1.000000000e+01, v53  }
0x122: {  	v54 =	vsub.f32 v15, v51;
	v55 =	vtrunc.f32 v14;
	v18 =	vld.idx.msk [tilespmem:v46+s15+$0x0], $0xffff  }
0x123: {  	v48 =	vld [tilespmem:s30+$0x1D0];
	v19 =	vcvt.f32.s32 v55;
	v20 =	vsub.f32 v20, v26;
	v57 =	vtrunc.f32 v12  }
0x124: {  	v52 =	vld [tilespmem:s31+$0x1D0];
	v15 =	vmul.f32 v54, v50;
	v58 =	vcvt.f32.s32 v57  }
0x125: {  	v20 =	vmul.f32 v20, v56  }
0x126: {  	v15 =	vadd.f32 v15, v21  }
0x127: {  	v18 =	vadd.f32 v20, v18  }
0x128: {  	v60 =	vmul.f32 $1.000000000e+01, v48;
	[tilespmem:s30+$0xC1B0] =	vst v15  }
0x129: {  	v15 =	vld.idx.msk [tilespmem:v19+s16+$0x0], $0xffff;
	v24 =	vmul.f32 $1.000000000e+01, v52;
	[tilespmem:s31+$0xC1B0] =	vst v18  }
0x12a: {  	v61 =	vadd.f32 $1.000000000e+01, v60;
	v62 =	vcvt.s32.f32 v19;
	v28 =	vld.idx.msk [tilespmem:v58+s16+$0x0], $0xffff  }
0x12b: {  	v19 =	vld.idx.msk [tilespmem:v19+s15+$0x0], $0xffff;
	v24 =	vadd.f32 $1.000000000e+01, v24;
	v29 =	vcvt.s32.f32 v58  }
0x12c: {  	v27 =	vtrunc.f32 v61;
	v14 =	vsub.f32 v14, v62;
	v30 =	vld.idx.msk [tilespmem:v58+s15+$0x0], $0xffff  }
0x12d: {  	v59 =	vld [tilespmem:s30+$0x1E0];
	v31 =	vtrunc.f32 v24;
	v12 =	vsub.f32 v12, v29;
	v18 =	vcvt.f32.s32 v27  }
0x12e: {  	v63 =	vld [tilespmem:s31+$0x1E0];
	v14 =	vmul.f32 v14, v15;
	v21 =	vcvt.f32.s32 v31  }
0x12f: {  	v12 =	vmul.f32 v12, v28  }
0x130: {  	v19 =	vadd.f32 v14, v19  }
0x131: {  	v12 =	vadd.f32 v12, v30  }
0x132: {  	v32 =	vld.idx.msk [tilespmem:v13+s15+$0x0], $0xffff;
	v33 =	vcvt.s32.f32 v13;
	v22 =	vmul.f32 $1.000000000e+01, v59;
	[tilespmem:s30+$0xC1C0] =	vst v19  }
0x133: {  	v25 =	vmul.f32 $1.000000000e+01, v63;
	v27 =	vld.idx.msk [tilespmem:v18+s16+$0x0], $0xffff;
	[tilespmem:s31+$0xC1C0] =	vst v12  }
0x134: {  	v10 =	vsub.f32 v10, v33;
	v36 =	vadd.f32 $1.000000000e+01, v22;
	v37 =	vcvt.s32.f32 v18;
	v41 =	vld.idx.msk [tilespmem:v21+s16+$0x0], $0xffff  }
0x135: {  	v25 =	vadd.f32 $1.000000000e+01, v25;
	v29 =	vcvt.s32.f32 v21;
	v18 =	vld.idx.msk [tilespmem:v18+s15+$0x0], $0xffff  }
0x136: {  	v38 =	vmul.f32 v10, v16;
	v39 =	vtrunc.f32 v36;
	v40 =	vsub.f32 v61, v37;
	v21 =	vld.idx.msk [tilespmem:v21+s15+$0x0], $0xffff  }
0x137: {  	v43 =	vtrunc.f32 v25;
	v42 =	vcvt.f32.s32 v39;
	v24 =	vsub.f32 v24, v29;
	v28 =	vld [tilespmem:s30+$0x1F0]  }
0x138: {  	v45 =	vld [tilespmem:s31+$0x1F0];
	v44 =	vcvt.f32.s32 v43;
	v16 =	vmul.f32 v40, v27  }
0x139: {  	v12 =	vadd.f32 v38, v32;
	v46 =	vmul.f32 v24, v41  }
0x13a: {  	v17 =	vadd.f32 $1.000000000e+01, v17;
	v16 =	vadd.f32 v16, v18  }
0x13b: {  	[tilespmem:s29+$0xC1E0] =	vst v12;
	v12 =	vadd.f32 v46, v21  }
0x13c: {  	v34 =	vld [tilespmem:s29+$0x580];
	v35 =	vtrunc.f32 v17;
	v48 =	vmul.f32 $1.000000000e+01, v28;
	[tilespmem:s30+$0xC1D0] =	vst v16  }
0x13d: {  	v19 =	vcvt.f32.s32 v35;
	v51 =	vmul.f32 $1.000000000e+01, v45;
	v49 =	vld.idx.msk [tilespmem:v42+s16+$0x0], $0xffff;
	[tilespmem:s31+$0xC1D0] =	vst v12  }
0x13e: {  	v50 =	vcvt.s32.f32 v42;
	v16 =	vadd.f32 $1.000000000e+01, v48;
	v53 =	vld.idx.msk [tilespmem:v44+s16+$0x0], $0xffff  }
0x13f: {  	v55 =	vcvt.s32.f32 v44;
	v30 =	vadd.f32 $1.000000000e+01, v51;
	v22 =	vld.idx.msk [tilespmem:v42+s15+$0x0], $0xffff  }
0x140: {  	v13 =	vsub.f32 v36, v50;
	v52 =	vtrunc.f32 v16;
	v18 =	vld.idx.msk [tilespmem:v44+s15+$0x0], $0xffff  }
0x141: {  	v54 =	vld [tilespmem:s30+$0x580];
	v25 =	vsub.f32 v25, v55;
	v31 =	vtrunc.f32 v30;
	v26 =	vcvt.f32.s32 v52  }
0x142: {  	v58 =	vld [tilespmem:s31+$0x580];
	v57 =	vcvt.f32.s32 v31;
	v13 =	vmul.f32 v13, v49  }
0x143: {  	v23 =	vmul.f32 $1.000000000e+01, v34;
	v47 =	vld.idx.msk [tilespmem:v19+s16+$0x0], $0xffff;
	v21 =	vmul.f32 v25, v53  }
0x144: {  	v56 =	vld.idx.msk [tilespmem:v19+s15+$0x0], $0xffff;
	v19 =	vcvt.s32.f32 v19;
	v13 =	vadd.f32 v13, v22  }
0x145: {  	v23 =	vadd.f32 $1.000000000e+01, v23;
	v18 =	vadd.f32 v21, v18  }
0x146: {  	v33 =	vld [tilespmem:s30+$0x5B0];
	v60 =	vmul.f32 $1.000000000e+01, v54;
	v17 =	vsub.f32 v17, v19;
	[tilespmem:s30+$0xC1E0] =	vst v13  }
0x147: {  	v59 =	vtrunc.f32 v23;
	v36 =	vmul.f32 $1.000000000e+01, v58;
	v62 =	vld.idx.msk [tilespmem:v26+s16+$0x0], $0xffff;
	[tilespmem:s31+$0xC1E0] =	vst v18  }
0x148: {  	v63 =	vadd.f32 $1.000000000e+01, v60;
	v17 =	vmul.f32 v17, v47;
	v35 =	vcvt.s32.f32 v26;
	v38 =	vld.idx.msk [tilespmem:v57+s16+$0x0], $0xffff  }
0x149: {  	v61 =	vcvt.f32.s32 v59;
	v39 =	vcvt.s32.f32 v57;
	v26 =	vld.idx.msk [tilespmem:v26+s15+$0x0], $0xffff;
	v18 =	vadd.f32 $1.000000000e+01, v36  }
0x14a: {  	v37 =	vtrunc.f32 v63;
	v17 =	vadd.f32 v17, v56;
	v21 =	vsub.f32 v16, v35;
	v41 =	vld.idx.msk [tilespmem:v57+s15+$0x0], $0xffff  }
0x14b: {  	v27 =	vld [tilespmem:s30+$0x590];
	v24 =	vcvt.f32.s32 v37;
	v44 =	vsub.f32 v30, v39;
	v43 =	vtrunc.f32 v18  }
0x14c: {  	v28 =	vld [tilespmem:s31+$0x590];
	[tilespmem:s29+$0xC1F0] =	vst v17;
	v40 =	vmul.f32 v21, v62;
	v17 =	vcvt.f32.s32 v43  }
0x14d: {  	[tilespmem:s28+$0xC590] =	vst v11;
	v14 =	vld [tilespmem:s30+$0x5A0];
	v25 =	vmul.f32 v44, v38  }
0x14e: {  	v8 =	vmul.f32 $1.000000000e+01, v8;
	v6 =	vmul.f32 $1.000000000e+01, v6;
	v42 =	vld.idx.msk [tilespmem:v9+s16+$0x0], $0xffff;
	v11 =	vadd.f32 v40, v26  }
0x14f: {  	v5 =	vmul.f32 $1.000000000e+01, v5;
	v19 =	vcvt.s32.f32 v61;
	v45 =	vld.idx.msk [tilespmem:v61+s16+$0x0], $0xffff;
	v21 =	vadd.f32 v25, v41  }
0x150: {  	v6 =	vadd.f32 $1.000000000e+01, v6;
	v50 =	vmul.f32 $1.000000000e+01, v27;
	v46 =	vadd.f32 $1.000000000e+01, v8;
	v47 =	vld.idx.msk [tilespmem:v61+s15+$0x0], $0xffff;
	[tilespmem:s30+$0xC1F0] =	vst v11  }
0x151: {  	v48 =	vcvt.s32.f32 v9;
	v28 =	vmul.f32 $1.000000000e+01, v28;
	v19 =	vsub.f32 v23, v19;
	v32 =	vld.idx.msk [tilespmem:v24+s16+$0x0], $0xffff;
	[tilespmem:s31+$0xC1F0] =	vst v21  }
0x152: {  	v51 =	vcvt.s32.f32 v24;
	v49 =	vtrunc.f32 v46;
	v53 =	vadd.f32 $1.000000000e+01, v50;
	v54 =	vld.idx.msk [tilespmem:v17+s16+$0x0], $0xffff  }
0x153: {  	v28 =	vadd.f32 $1.000000000e+01, v28;
	v31 =	vcvt.f32.s32 v49;
	v56 =	vcvt.s32.f32 v17;
	v24 =	vld.idx.msk [tilespmem:v24+s15+$0x0], $0xffff  }
0x154: {  	v20 =	vsub.f32 v63, v51;
	v19 =	vmul.f32 v19, v45;
	v57 =	vtrunc.f32 v53;
	v17 =	vld.idx.msk [tilespmem:v17+s15+$0x0], $0xffff  }
0x155: {  	v15 =	vld [tilespmem:s31+$0x5A0];
	v59 =	vtrunc.f32 v28;
	v29 =	vcvt.f32.s32 v57;
	v18 =	vsub.f32 v18, v56  }
0x156: {  	v52 =	vld.idx.msk [tilespmem:v9+s15+$0x0], $0xffff;
	v60 =	vcvt.f32.s32 v59;
	v19 =	vadd.f32 v19, v47;
	v20 =	vmul.f32 v20, v32  }
0x157: {  	v5 =	vadd.f32 $1.000000000e+01, v5;
	v58 =	vld [tilespmem:s29+$0x5B0];
	v7 =	vsub.f32 v7, v48;
	v18 =	vmul.f32 v18, v54  }
0x158: {  	v14 =	vmul.f32 $1.000000000e+01, v14;
	v55 =	vtrunc.f32 v6;
	v8 =	vld [tilespmem:s30+$0x5C0];
	[tilespmem:s29+$0xC580] =	vst v19;
	v20 =	vadd.f32 v20, v24  }
0x159: {  	v7 =	vmul.f32 v7, v42;
	v61 =	vcvt.f32.s32 v55;
	v62 =	vld.idx.msk [tilespmem:v31+s16+$0x0], $0xffff;
	v17 =	vadd.f32 v18, v17  }
0x15a: {  	v34 =	vtrunc.f32 v5;
	v63 =	vld.idx.msk [tilespmem:v31+s15+$0x0], $0xffff;
	v31 =	vcvt.s32.f32 v31;
	[tilespmem:s30+$0xC580] =	vst v20  }
0x15b: {  	v15 =	vmul.f32 $1.000000000e+01, v15;
	v9 =	vcvt.f32.s32 v34;
	v7 =	vadd.f32 v7, v52;
	v37 =	vld.idx.msk [tilespmem:v29+s16+$0x0], $0xffff;
	[tilespmem:s31+$0xC580] =	vst v17  }
0x15c: {  	v39 =	vcvt.s32.f32 v29;
	v36 =	vsub.f32 v46, v31;
	v38 =	vadd.f32 $1.000000000e+01, v14;
	v17 =	vld.idx.msk [tilespmem:v60+s16+$0x0], $0xffff  }
0x15d: {  	v15 =	vadd.f32 $1.000000000e+01, v15;
	v43 =	vcvt.s32.f32 v61;
	v41 =	vcvt.s32.f32 v60;
	v29 =	vld.idx.msk [tilespmem:v29+s15+$0x0], $0xffff  }
0x15e: {  	[tilespmem:s28+$0xC5A0] =	vst v7;
	v14 =	vsub.f32 v53, v39;
	v42 =	vtrunc.f32 v38;
	v20 =	vmul.f32 v36, v62;
	v11 =	vld.idx.msk [tilespmem:v60+s15+$0x0], $0xffff  }
0x15f: {  	v40 =	vld.idx.msk [tilespmem:v61+s16+$0x0], $0xffff;
	v44 =	vtrunc.f32 v15;
	v23 =	vsub.f32 v28, v41;
	v21 =	vcvt.f32.s32 v42  }
0x160: {  	v35 =	vld [tilespmem:s31+$0x5B0];
	v45 =	vcvt.f32.s32 v44;
	v20 =	vadd.f32 v20, v63;
	v14 =	vmul.f32 v14, v37  }
0x161: {  	v16 =	vld [tilespmem:s29+$0x5C0];
	v17 =	vmul.f32 v23, v17  }
0x162: {  	v47 =	vmul.f32 $1.000000000e+01, v58;
	v19 =	vld.idx.msk [tilespmem:v61+s15+$0x0], $0xffff;
	v6 =	vsub.f32 v6, v43;
	[tilespmem:s29+$0xC590] =	vst v20;
	v14 =	vadd.f32 v14, v29  }
0x163: {  	v1 =	vmul.f32 $1.000000000e+01, v1;
	v50 =	vcvt.s32.f32 v9;
	v49 =	vld.idx.msk [tilespmem:v9+s16+$0x0], $0xffff;
	v11 =	vadd.f32 v17, v11  }
0x164: {  	v51 =	vmul.f32 $1.000000000e+01, v33;
	v6 =	vmul.f32 v6, v40;
	v24 =	vadd.f32 $1.000000000e+01, v47;
	v9 =	vld.idx.msk [tilespmem:v9+s15+$0x0], $0xffff;
	[tilespmem:s30+$0xC590] =	vst v14  }
0x165: {  	v5 =	vsub.f32 v5, v50;
	v57 =	vcvt.s32.f32 v45;
	v54 =	vmul.f32 $1.000000000e+01, v35;
	v53 =	vld.idx.msk [tilespmem:v21+s16+$0x0], $0xffff;
	[tilespmem:s31+$0xC590] =	vst v11  }
0x166: {  	v55 =	vcvt.s32.f32 v21;
	v52 =	vtrunc.f32 v24;
	v14 =	vadd.f32 $1.000000000e+01, v51;
	v56 =	vld.idx.msk [tilespmem:v45+s16+$0x0], $0xffff  }
0x167: {  	v6 =	vadd.f32 v6, v19;
	v19 =	vcvt.f32.s32 v52;
	v21 =	vld.idx.msk [tilespmem:v21+s15+$0x0], $0xffff;
	v11 =	vadd.f32 $1.000000000e+01, v54  }
0x168: {  	v7 =	vsub.f32 v38, v55;
	v5 =	vmul.f32 v5, v49;
	v58 =	vtrunc.f32 v14;
	v22 =	vld.idx.msk [tilespmem:v45+s15+$0x0], $0xffff  }
0x169: {  	v10 =	vld [tilespmem:s29+$0x5D0];
	v15 =	vsub.f32 v15, v57;
	v17 =	vcvt.f32.s32 v58;
	v59 =	vtrunc.f32 v11  }
0x16a: {  	v27 =	vld [tilespmem:s31+$0x5C0];
	v5 =	vadd.f32 v5, v9;
	v7 =	vmul.f32 v7, v53;
	v60 =	vcvt.f32.s32 v59  }
0x16b: {  	v1 =	vadd.f32 $1.000000000e+01, v1;
	v12 =	vld [tilespmem:s30+$0x5D0];
	v15 =	vmul.f32 v15, v56  }
0x16c: {  	v3 =	vadd.f32 $1.000000000e+01, v3;
	v13 =	vld [tilespmem:s31+$0x5D0];
	v61 =	vmul.f32 $1.000000000e+01, v16;
	[tilespmem:s29+$0xC5A0] =	vst v5;
	v26 =	vadd.f32 v7, v21  }
0x16d: {  	v8 =	vmul.f32 $1.000000000e+01, v8;
	v46 =	vtrunc.f32 v1;
	[tilespmem:s28+$0xC5B0] =	vst v6;
	v29 =	vld.idx.msk [tilespmem:v19+s16+$0x0], $0xffff;
	v15 =	vadd.f32 v15, v22  }
0x16e: {  	v48 =	vcvt.f32.s32 v46;
	v6 =	vadd.f32 $1.000000000e+01, v61;
	v30 =	vcvt.s32.f32 v19;
	v19 =	vld.idx.msk [tilespmem:v19+s15+$0x0], $0xffff;
	[tilespmem:s30+$0xC5A0] =	vst v26  }
0x16f: {  	v10 =	vmul.f32 $1.000000000e+01, v10;
	v33 =	vmul.f32 $1.000000000e+01, v27;
	v8 =	vadd.f32 $1.000000000e+01, v8;
	v32 =	vld.idx.msk [tilespmem:v17+s16+$0x0], $0xffff;
	[tilespmem:s31+$0xC5A0] =	vst v15  }
0x170: {  	v31 =	vtrunc.f32 v6;
	v34 =	vsub.f32 v24, v30;
	v35 =	vcvt.s32.f32 v17;
	v36 =	vld.idx.msk [tilespmem:v60+s16+$0x0], $0xffff  }
0x171: {  	v25 =	vadd.f32 $1.000000000e+01, v33;
	v5 =	vcvt.f32.s32 v31;
	v37 =	vcvt.s32.f32 v60;
	v17 =	vld.idx.msk [tilespmem:v17+s15+$0x0], $0xffff  }
0x172: {  	v38 =	vtrunc.f32 v8;
	v14 =	vsub.f32 v14, v35;
	v15 =	vmul.f32 v34, v29;
	v9 =	vld.idx.msk [tilespmem:v60+s15+$0x0], $0xffff  }
0x173: {  	v39 =	vtrunc.f32 v25;
	v21 =	vcvt.f32.s32 v38;
	v11 =	vsub.f32 v11, v37  }
0x174: {  	v40 =	vcvt.f32.s32 v39;
	v62 =	vld.idx.msk [tilespmem:v48+s16+$0x0], $0xffff;
	v14 =	vmul.f32 v14, v32;
	v15 =	vadd.f32 v15, v19  }
0x175: {  	v10 =	vadd.f32 $1.000000000e+01, v10;
	v63 =	vcvt.s32.f32 v48;
	v11 =	vmul.f32 v11, v36  }
0x176: {  	v12 =	vmul.f32 $1.000000000e+01, v12;
	v13 =	vmul.f32 $1.000000000e+01, v13;
	v20 =	vld.idx.msk [tilespmem:v48+s15+$0x0], $0xffff;
	v14 =	vadd.f32 v14, v17;
	[tilespmem:s29+$0xC5B0] =	vst v15  }
0x177: {  	v28 =	vtrunc.f32 v3;
	v1 =	vsub.f32 v1, v63;
	v15 =	vld.idx.msk [tilespmem:v5+s16+$0x0], $0xffff;
	v9 =	vadd.f32 v11, v9  }
0x178: {  	v42 =	vtrunc.f32 v10;
	v41 =	vcvt.s32.f32 v5;
	v5 =	vld.idx.msk [tilespmem:v5+s15+$0x0], $0xffff;
	[tilespmem:s30+$0xC5B0] =	vst v14  }
0x179: {  	v13 =	vadd.f32 $1.000000000e+01, v13;
	v1 =	vmul.f32 v1, v62;
	v7 =	vcvt.f32.s32 v28;
	v43 =	vld.idx.msk [tilespmem:v21+s16+$0x0], $0xffff;
	[tilespmem:s31+$0xC5B0] =	vst v9  }
0x17a: {  	v45 =	vadd.f32 $1.000000000e+01, v12;
	v6 =	vsub.f32 v6, v41;
	v44 =	vcvt.s32.f32 v21;
	v46 =	vld.idx.msk [tilespmem:v40+s16+$0x0], $0xffff  }
0x17b: {  	v48 =	vcvt.s32.f32 v40;
	v1 =	vadd.f32 v1, v20;
	v14 =	vcvt.f32.s32 v42;
	v47 =	vld.idx.msk [tilespmem:v21+s15+$0x0], $0xffff  }
0x17c: {  	v49 =	vtrunc.f32 v45;
	v8 =	vsub.f32 v8, v44;
	v6 =	vmul.f32 v6, v15;
	v50 =	vld.idx.msk [tilespmem:v40+s15+$0x0], $0xffff  }
0x17d: {  	v18 =	vsub.f32 v25, v48;
	v51 =	vtrunc.f32 v13;
	v15 =	vcvt.f32.s32 v49  }
0x17e: {  	[tilespmem:s28+$0xC5C0] =	vst v1;
	v53 =	vcvt.f32.s32 v51;
	v52 =	vmul.f32 v8, v43;
	v1 =	vadd.f32 v6, v5  }
0x17f: {  	v54 =	vld.idx.msk [tilespmem:v7+s16+$0x0], $0xffff;
	v12 =	vmul.f32 v18, v46  }
0x180: {  	v55 =	vld.idx.msk [tilespmem:v7+s15+$0x0], $0xffff;
	[tilespmem:s29+$0xC5C0] =	vst v1;
	v1 =	vadd.f32 v52, v47  }
0x181: {  	v56 =	vld.idx.msk [tilespmem:v14+s16+$0x0], $0xffff;
	v9 =	vadd.f32 v12, v50  }
0x182: {  	v7 =	vcvt.s32.f32 v7;
	v57 =	vld.idx.msk [tilespmem:v14+s15+$0x0], $0xffff;
	[tilespmem:s30+$0xC5C0] =	vst v1  }
0x183: {  	v1 =	vcvt.s32.f32 v14;
	v58 =	vld.idx.msk [tilespmem:v15+s16+$0x0], $0xffff;
	[tilespmem:s31+$0xC5C0] =	vst v9  }
0x184: {  	v3 =	vsub.f32 v3, v7;
	v59 =	vcvt.s32.f32 v15;
	v9 =	vld.idx.msk [tilespmem:v53+s16+$0x0], $0xffff  }
0x185: {  	v61 =	vcvt.s32.f32 v53;
	v60 =	vld.idx.msk [tilespmem:v15+s15+$0x0], $0xffff;
	v1 =	vsub.f32 v10, v1  }
0x186: {  	v3 =	vmul.f32 v3, v54;
	v7 =	vsub.f32 v45, v59;
	v6 =	vld.idx.msk [tilespmem:v53+s15+$0x0], $0xffff  }
0x187: {  	v2 =	vadd.f32 v4, v2;
	v62 =	vsub.f32 v13, v61;
	v1 =	vmul.f32 v1, v56  }
0x188: {  	v3 =	vadd.f32 v3, v55;
	v63 =	vmul.f32 v7, v58  }
0x189: {  	p1 =	sne.s32 s23, $0x6;
	[tilespmem:s26+$0xC5D0] =	vst v2;
	v1 =	vadd.f32 v1, v57;
	v2 =	vmul.f32 v62, v9  }
.Ltmp1:
0x18a: {  	[tilespmem:s28+$0xC5D0] =	vst v3;
	v3 =	vadd.f32 v63, v60;
	(pc) =	sbr.rel @p1 .LBB2_6-.Ltmp1, $4  }
0x18b: {  	s0 =	sadd.s32 s6, s25;
	[tilespmem:s29+$0xC5D0] =	vst v1;
	v1 =	vadd.f32 v2, v6  }
0x18c: {  	s0 =	sshll.u32 s0, $0x5;
	[tilespmem:s30+$0xC5D0] =	vst v3  }
0x18d: {  	s0 =	sadd.s32 s4, s0;
	[tilespmem:s31+$0xC5D0] =	vst v1  }
0x18e: {  	[hbm4b:s0+s5] =	stream.linear.scatter [tilespmem:s17], [sflag:$0x3], $0x6000, $0x38;
	[tilespmem:$0x18180] =	vst v63  }
.Ltmp2:
0x18f: {  	(pc) =	sbr.rel .LBB2_7-.Ltmp2, $4  }
0x190: {  	_ = 	snop  }
0x191: {  	_ =	swait.ge [sflag:s18], $0x6000  }
0x192: {  	[sflag:s18] =	ssyncset.done $0x0  }
0x193: {  	[sflag:s18] =	ssyncadd.s32 $0xFFFFA000  }
.LBB2_6:
0x194: {  	s0 =	sadd.s32 s25, s9  }
0x195: {  	s0 =	sshll.u32 s0, $0x5  }
.Ltmp3:
0x196: {  	s0 =	sadd.s32 s3, s0;
	(pc) =	sbr.rel @p0 .LBB2_8-.Ltmp3, $4  }
0x197: {  	[tilespmem:s12], [sflag:$0x1] =	stream.linear.gather [hbm4b:s0+s5], $0x6000, $0x38;
	[tilespmem:$0x18180] =	vst v63  }
0x198: {  	_ =	swait.ge [sflag:s18], $0x6000  }
0x199: {  	[sflag:s18] =	ssyncset.done $0x0  }
0x19a: {  	[sflag:s18] =	ssyncadd.s32 $0xFFFFA000  }
.LBB2_7:
0x19b: {  	_ =	swait.ge [sflag:s19], $0x6000  }
0x19c: {  	[sflag:s19] =	ssyncset.done $0x0  }
0x19d: {  	[sflag:s19] =	ssyncadd.s32 $0xFFFFA000  }
.LBB2_8:
0x19e: {  	s0 =	simm.s32 $0x0  }
0x19f: {  	s1 =	sand.u32 $0x7800, s0;
	s0 =	sand.u32 $0x380, s0  }
0x1a0: {  	s25 =	sor.u32 s0, s1  }
0x1a1: {  	v1 =	vld [tilespmem:s25+$0x6180];
	_ =	sdelay $0x4  }
0x1a2: {  	v1 =	vmul.f32 $1.000000000e+01, v1;
	_ =	sdelay $0x1  }
0x1a3: {  	v1 =	vadd.f32 $1.000000000e+01, v1;
	_ =	sdelay $0x1  }
0x1a4: {  	v2 =	vtrunc.f32 v1  }
0x1a5: {  	v3 =	vld [tilespmem:s25+$0x6190];
	v2 =	vcvt.f32.s32 v2;
	_ =	sdelay $0x4  }
0x1a6: {  	v3 =	vmul.f32 $1.000000000e+01, v3  }
0x1a7: {  	v4 =	vld.idx.msk [tilespmem:v2+s16+$0x0], $0xffff  }
0x1a8: {  	v3 =	vadd.f32 $1.000000000e+01, v3;
	v5 =	vcvt.s32.f32 v2  }
0x1a9: {  	v2 =	vld.idx.msk [tilespmem:v2+s15+$0x0], $0xffff  }
0x1aa: {  	v1 =	vsub.f32 v1, v5;
	v5 =	vtrunc.f32 v3  }
0x1ab: {  	v6 =	vld [tilespmem:s25+$0x61A0];
	v5 =	vcvt.f32.s32 v5  }
0x1ac: {  	v1 =	vmul.f32 v1, v4;
	_ =	sdelay $0x1  }
0x1ad: {  	v1 =	vadd.f32 v1, v2;
	_ =	sdelay $0x1  }
0x1ae: {  	[tilespmem:s25+$0x12180] =	vst v1;
	v1 =	vmul.f32 $1.000000000e+01, v6  }
0x1af: {  	v2 =	vld.idx.msk [tilespmem:v5+s16+$0x0], $0xffff  }
0x1b0: {  	v4 =	vcvt.s32.f32 v5;
	v1 =	vadd.f32 $1.000000000e+01, v1  }
0x1b1: {  	v5 =	vld.idx.msk [tilespmem:v5+s15+$0x0], $0xffff  }
0x1b2: {  	v3 =	vsub.f32 v3, v4;
	v4 =	vtrunc.f32 v1  }
0x1b3: {  	v6 =	vld [tilespmem:s25+$0x61B0];
	v4 =	vcvt.f32.s32 v4  }
0x1b4: {  	v2 =	vmul.f32 v3, v2;
	_ =	sdelay $0x1  }
0x1b5: {  	v2 =	vadd.f32 v2, v5  }
0x1b6: {  	s26 =	simm.s32 $0x100;
	s31 =	simm.s32 $0x80  }
0x1b7: {  	s0 =	sand.u32 $0x7800, s26;
	s1 =	sand.u32 $0x380, s31;
	[tilespmem:s25+$0x12190] =	vst v2;
	v2 =	vmul.f32 $1.000000000e+01, v6  }
0x1b8: {  	s26 =	sor.u32 s1, s0;
	v3 =	vld.idx.msk [tilespmem:v4+s16+$0x0], $0xffff  }
0x1b9: {  	v5 =	vld [tilespmem:s26+$0x6180];
	v6 =	vcvt.s32.f32 v4;
	v2 =	vadd.f32 $1.000000000e+01, v2  }
0x1ba: {  	v4 =	vld.idx.msk [tilespmem:v4+s15+$0x0], $0xffff  }
0x1bb: {  	v1 =	vsub.f32 v1, v6;
	v6 =	vtrunc.f32 v2  }
0x1bc: {  	v7 =	vld [tilespmem:s25+$0x61C0];
	v6 =	vcvt.f32.s32 v6  }
0x1bd: {  	v1 =	vmul.f32 v1, v3;
	_ =	sdelay $0x1  }
0x1be: {  	v3 =	vmul.f32 $1.000000000e+01, v5;
	v1 =	vadd.f32 v1, v4;
	_ =	sdelay $0x1  }
0x1bf: {  	[tilespmem:s25+$0x121A0] =	vst v1;
	v1 =	vadd.f32 $1.000000000e+01, v3;
	v3 =	vmul.f32 $1.000000000e+01, v7  }
0x1c0: {  	v5 =	vld.idx.msk [tilespmem:v6+s16+$0x0], $0xffff  }
0x1c1: {  	v9 =	vcvt.s32.f32 v6;
	v7 =	vld [tilespmem:s26+$0x6190];
	v8 =	vtrunc.f32 v1;
	v3 =	vadd.f32 $1.000000000e+01, v3  }
0x1c2: {  	v6 =	vld.idx.msk [tilespmem:v6+s15+$0x0], $0xffff;
	v8 =	vcvt.f32.s32 v8  }
0x1c3: {  	v4 =	vld [tilespmem:s25+$0x61D0];
	v2 =	vsub.f32 v2, v9;
	v9 =	vtrunc.f32 v3  }
0x1c4: {  	v9 =	vcvt.f32.s32 v9  }
0x1c5: {  	v2 =	vmul.f32 v2, v5;
	_ =	sdelay $0x1  }
0x1c6: {  	v2 =	vadd.f32 v2, v6;
	v6 =	vmul.f32 $1.000000000e+01, v7  }
0x1c7: {  	v4 =	vmul.f32 $1.000000000e+01, v4;
	v7 =	vld.idx.msk [tilespmem:v8+s16+$0x0], $0xffff  }
0x1c8: {  	v10 =	vld.idx.msk [tilespmem:v8+s15+$0x0], $0xffff;
	[tilespmem:s25+$0x121B0] =	vst v2;
	v2 =	vcvt.s32.f32 v8;
	v6 =	vadd.f32 $1.000000000e+01, v6  }
0x1c9: {  	v4 =	vadd.f32 $1.000000000e+01, v4;
	v8 =	vld.idx.msk [tilespmem:v9+s16+$0x0], $0xffff  }
0x1ca: {  	v11 =	vld [tilespmem:s26+$0x61A0];
	v12 =	vcvt.s32.f32 v9;
	v1 =	vsub.f32 v1, v2;
	v2 =	vtrunc.f32 v6  }
0x1cb: {  	v9 =	vld.idx.msk [tilespmem:v9+s15+$0x0], $0xffff;
	v2 =	vcvt.f32.s32 v2  }
0x1cc: {  	v5 =	vld [tilespmem:s25+$0x61E0];
	v13 =	vtrunc.f32 v4;
	v3 =	vsub.f32 v3, v12;
	v1 =	vmul.f32 v1, v7  }
0x1cd: {  	v7 =	vcvt.f32.s32 v13  }
0x1ce: {  	v10 =	vadd.f32 v1, v10;
	v3 =	vmul.f32 v3, v8;
	_ =	sdelay $0x1  }
0x1cf: {  	v8 =	vmul.f32 $1.000000000e+01, v11;
	[tilespmem:s26+$0x12180] =	vst v10;
	v3 =	vadd.f32 v3, v9  }
0x1d0: {  	v5 =	vmul.f32 $1.000000000e+01, v5;
	v9 =	vld.idx.msk [tilespmem:v2+s16+$0x0], $0xffff  }
0x1d1: {  	v10 =	vld.idx.msk [tilespmem:v2+s15+$0x0], $0xffff;
	v2 =	vcvt.s32.f32 v2;
	[tilespmem:s25+$0x121C0] =	vst v3;
	v3 =	vadd.f32 $1.000000000e+01, v8  }
0x1d2: {  	v5 =	vadd.f32 $1.000000000e+01, v5;
	v8 =	vld.idx.msk [tilespmem:v7+s16+$0x0], $0xffff  }
0x1d3: {  	v11 =	vld [tilespmem:s26+$0x61B0];
	v12 =	vcvt.s32.f32 v7;
	v2 =	vsub.f32 v6, v2;
	v6 =	vtrunc.f32 v3  }
0x1d4: {  	v7 =	vld.idx.msk [tilespmem:v7+s15+$0x0], $0xffff;
	v6 =	vcvt.f32.s32 v6  }
0x1d5: {  	v13 =	vtrunc.f32 v5;
	v4 =	vsub.f32 v4, v12;
	v2 =	vmul.f32 v2, v9;
	v9 =	vld [tilespmem:s25+$0x61F0]  }
0x1d6: {  	s2 =	simm.s32 $0x200;
	s31 =	simm.s32 $0x100;
	v12 =	vcvt.f32.s32 v13  }
0x1d7: {  	s0 =	sand.u32 $0x7800, s2;
	s1 =	sand.u32 $0x380, s31;
	v2 =	vadd.f32 v2, v10;
	v4 =	vmul.f32 v4, v8  }
0x1d8: {  	s28 =	sor.u32 s1, s0  }
0x1d9: {  	v10 =	vld [tilespmem:s28+$0x6180];
	[tilespmem:s26+$0x12190] =	vst v2;
	v2 =	vadd.f32 v4, v7;
	v4 =	vmul.f32 $1.000000000e+01, v11  }
0x1da: {  	v7 =	vld.idx.msk [tilespmem:v6+s16+$0x0], $0xffff;
	v9 =	vmul.f32 $1.000000000e+01, v9  }
0x1db: {  	v11 =	vld.idx.msk [tilespmem:v6+s15+$0x0], $0xffff;
	[tilespmem:s25+$0x121D0] =	vst v2;
	v2 =	vcvt.s32.f32 v6;
	v4 =	vadd.f32 $1.000000000e+01, v4  }
0x1dc: {  	v6 =	vld.idx.msk [tilespmem:v12+s16+$0x0], $0xffff;
	v9 =	vadd.f32 $1.000000000e+01, v9  }
0x1dd: {  	v13 =	vld.idx.msk [tilespmem:v12+s15+$0x0], $0xffff;
	v12 =	vcvt.s32.f32 v12;
	v2 =	vsub.f32 v3, v2;
	v3 =	vtrunc.f32 v4  }
0x1de: {  	v14 =	vld [tilespmem:s26+$0x61C0];
	v3 =	vcvt.f32.s32 v3  }
0x1df: {  	v15 =	vtrunc.f32 v9;
	v5 =	vsub.f32 v5, v12;
	v2 =	vmul.f32 v2, v7;
	v7 =	vld [tilespmem:s25+$0x6580]  }
0x1e0: {  	v10 =	vmul.f32 $1.000000000e+01, v10;
	v12 =	vcvt.f32.s32 v15  }
0x1e1: {  	v11 =	vadd.f32 v2, v11;
	v5 =	vmul.f32 v5, v6  }
0x1e2: {  	v21 =	vld [tilespmem:s25+$0x65B0];
	v10 =	vadd.f32 $1.000000000e+01, v10  }
0x1e3: {  	v15 =	vld [tilespmem:s28+$0x6190];
	[tilespmem:s26+$0x121A0] =	vst v11;
	v5 =	vadd.f32 v5, v13;
	v11 =	vmul.f32 $1.000000000e+01, v14  }
0x1e4: {  	v14 =	vtrunc.f32 v10;
	v13 =	vld.idx.msk [tilespmem:v3+s16+$0x0], $0xffff;
	v7 =	vmul.f32 $1.000000000e+01, v7  }
0x1e5: {  	v16 =	vld.idx.msk [tilespmem:v3+s15+$0x0], $0xffff;
	v3 =	vcvt.s32.f32 v3;
	[tilespmem:s25+$0x121E0] =	vst v5;
	v5 =	vadd.f32 $1.000000000e+01, v11;
	v11 =	vcvt.f32.s32 v14  }
0x1e6: {  	v17 =	vcvt.s32.f32 v12;
	v14 =	vld.idx.msk [tilespmem:v12+s16+$0x0], $0xffff  }
0x1e7: {  	v6 =	vld [tilespmem:s26+$0x61D0];
	v7 =	vadd.f32 $1.000000000e+01, v7;
	v3 =	vsub.f32 v4, v3;
	v4 =	vtrunc.f32 v5  }
0x1e8: {  	v12 =	vld.idx.msk [tilespmem:v12+s15+$0x0], $0xffff;
	v4 =	vcvt.f32.s32 v4  }
0x1e9: {  	v8 =	vld [tilespmem:s25+$0x6590];
	v9 =	vsub.f32 v9, v17;
	v19 =	vtrunc.f32 v7;
	v3 =	vmul.f32 v3, v13  }
0x1ea: {  	v18 =	vld [tilespmem:s26+$0x61E0];
	v13 =	vcvt.f32.s32 v19  }
0x1eb: {  	v15 =	vmul.f32 $1.000000000e+01, v15;
	v3 =	vadd.f32 v3, v16;
	v9 =	vmul.f32 v9, v14;
	v14 =	vld.idx.msk [tilespmem:v11+s16+$0x0], $0xffff  }
0x1ec: {  	v19 =	vcvt.s32.f32 v11;
	v16 =	vld [tilespmem:s28+$0x61A0]  }
0x1ed: {  	v6 =	vmul.f32 $1.000000000e+01, v6;
	v11 =	vld.idx.msk [tilespmem:v11+s15+$0x0], $0xffff;
	[tilespmem:s26+$0x121B0] =	vst v3;
	v3 =	vadd.f32 v9, v12;
	v9 =	vadd.f32 $1.000000000e+01, v15  }
0x1ee: {  	v8 =	vmul.f32 $1.000000000e+01, v8;
	v10 =	vsub.f32 v10, v19;
	v12 =	vld.idx.msk [tilespmem:v4+s16+$0x0], $0xffff  }
0x1ef: {  	v6 =	vadd.f32 $1.000000000e+01, v6;
	v15 =	vld.idx.msk [tilespmem:v4+s15+$0x0], $0xffff;
	v4 =	vcvt.s32.f32 v4;
	[tilespmem:s25+$0x121F0] =	vst v3;
	v3 =	vtrunc.f32 v9  }
0x1f0: {  	v8 =	vadd.f32 $1.000000000e+01, v8;
	v19 =	vld.idx.msk [tilespmem:v13+s16+$0x0], $0xffff;
	v20 =	vcvt.f32.s32 v3;
	v3 =	vmul.f32 v10, v14  }
0x1f1: {  	s2 =	simm.s32 $0x300;
	s31 =	simm.s32 $0x180;
	v22 =	vld [tilespmem:s26+$0x6580];
	v10 =	vtrunc.f32 v6;
	v4 =	vsub.f32 v5, v4;
	v5 =	vcvt.s32.f32 v13  }
0x1f2: {  	s0 =	sand.u32 $0x7800, s2;
	s1 =	sand.u32 $0x380, s31;
	v13 =	vld.idx.msk [tilespmem:v13+s15+$0x0], $0xffff;
	v14 =	vtrunc.f32 v8;
	v10 =	vcvt.f32.s32 v10  }
0x1f3: {  	s29 =	sor.u32 s1, s0;
	v1 =	vld [tilespmem:s25+$0x65A0];
	v11 =	vadd.f32 v3, v11;
	v5 =	vsub.f32 v7, v5;
	v4 =	vmul.f32 v4, v12  }
0x1f4: {  	v25 =	vld [tilespmem:s29+$0x61A0];
	v7 =	vcvt.f32.s32 v14  }
0x1f5: {  	v12 =	vmul.f32 $1.000000000e+01, v16;
	[tilespmem:s28+$0x12180] =	vst v11;
	v11 =	vld [tilespmem:s28+$0x61B0];
	v4 =	vadd.f32 v4, v15;
	v5 =	vmul.f32 v5, v19  }
0x1f6: {  	v14 =	vmul.f32 $1.000000000e+01, v18;
	v15 =	vld.idx.msk [tilespmem:v20+s16+$0x0], $0xffff  }
0x1f7: {  	v12 =	vadd.f32 $1.000000000e+01, v12;
	v16 =	vld.idx.msk [tilespmem:v20+s15+$0x0], $0xffff;
	[tilespmem:s26+$0x121C0] =	vst v4;
	v4 =	vadd.f32 v5, v13;
	v5 =	vcvt.s32.f32 v20  }
0x1f8: {  	v1 =	vmul.f32 $1.000000000e+01, v1;
	v14 =	vadd.f32 $1.000000000e+01, v14;
	v13 =	vld.idx.msk [tilespmem:v10+s16+$0x0], $0xffff  }
0x1f9: {  	v18 =	vld.idx.msk [tilespmem:v10+s15+$0x0], $0xffff;
	[tilespmem:s25+$0x12580] =	vst v4;
	v4 =	vsub.f32 v9, v5;
	v5 =	vtrunc.f32 v12;
	v9 =	vcvt.s32.f32 v10  }
0x1fa: {  	v1 =	vadd.f32 $1.000000000e+01, v1;
	v19 =	vtrunc.f32 v14;
	v10 =	vld.idx.msk [tilespmem:v7+s16+$0x0], $0xffff;
	v5 =	vcvt.f32.s32 v5  }
0x1fb: {  	v20 =	vld.idx.msk [tilespmem:v7+s15+$0x0], $0xffff;
	v7 =	vcvt.s32.f32 v7;
	v4 =	vmul.f32 v4, v15;
	v6 =	vsub.f32 v6, v9  }
0x1fc: {  	v2 =	vld [tilespmem:s25+$0x65D0];
	v9 =	vtrunc.f32 v1;
	v15 =	vcvt.f32.s32 v19  }
0x1fd: {  	v19 =	vld [tilespmem:s26+$0x61F0];
	v7 =	vsub.f32 v8, v7;
	v4 =	vadd.f32 v4, v16;
	v6 =	vmul.f32 v6, v13  }
0x1fe: {  	v17 =	vld [tilespmem:s25+$0x65C0];
	v9 =	vcvt.f32.s32 v9  }
0x1ff: {  	v13 =	vld [tilespmem:s29+$0x6180];
	[tilespmem:s28+$0x12190] =	vst v4;
	v4 =	vadd.f32 v6, v18;
	v6 =	vmul.f32 v7, v10;
	v10 =	vmul.f32 $1.000000000e+01, v11  }
0x200: {  	v7 =	vld.idx.msk [tilespmem:v5+s16+$0x0], $0xffff  }
0x201: {  	v11 =	vld.idx.msk [tilespmem:v5+s15+$0x0], $0xffff;
	v5 =	vcvt.s32.f32 v5;
	[tilespmem:s26+$0x121D0] =	vst v4;
	v10 =	vadd.f32 $1.000000000e+01, v10  }
0x202: {  	v4 =	vmul.f32 $1.000000000e+01, v19;
	v6 =	vadd.f32 v6, v20;
	v16 =	vld.idx.msk [tilespmem:v15+s16+$0x0], $0xffff  }
0x203: {  	v18 =	vld.idx.msk [tilespmem:v15+s15+$0x0], $0xffff;
	v5 =	vsub.f32 v12, v5;
	v15 =	vcvt.s32.f32 v15;
	v12 =	vtrunc.f32 v10  }
0x204: {  	v4 =	vadd.f32 $1.000000000e+01, v4;
	[tilespmem:s25+$0x12590] =	vst v6;
	v6 =	vmul.f32 $1.000000000e+01, v21;
	v21 =	vld [tilespmem:s28+$0x61C0];
	v20 =	vcvt.f32.s32 v12  }
0x205: {  	v19 =	vld.idx.msk [tilespmem:v9+s16+$0x0], $0xffff;
	v5 =	vmul.f32 v5, v7;
	v7 =	vsub.f32 v14, v15  }
0x206: {  	v3 =	vld [tilespmem:s26+$0x65A0];
	v12 =	vtrunc.f32 v4;
	v6 =	vadd.f32 $1.000000000e+01, v6;
	v14 =	vcvt.s32.f32 v9  }
0x207: {  	v9 =	vld.idx.msk [tilespmem:v9+s15+$0x0], $0xffff;
	v15 =	vcvt.f32.s32 v12;
	v5 =	vadd.f32 v5, v11;
	v7 =	vmul.f32 v7, v16  }
0x208: {  	v8 =	vld [tilespmem:s26+$0x6590];
	v23 =	vtrunc.f32 v6;
	v1 =	vsub.f32 v1, v14;
	v11 =	vmul.f32 $1.000000000e+01, v13  }
0x209: {  	v12 =	vld [tilespmem:s26+$0x65D0];
	v14 =	vcvt.f32.s32 v23;
	[tilespmem:s28+$0x121A0] =	vst v5;
	v5 =	vadd.f32 v7, v18  }
0x20a: {  	v1 =	vmul.f32 v1, v19;
	v7 =	vadd.f32 $1.000000000e+01, v11;
	v18 =	vmul.f32 $1.000000000e+01, v21;
	v11 =	vld.idx.msk [tilespmem:v20+s16+$0x0], $0xffff  }
0x20b: {  	v19 =	vld.idx.msk [tilespmem:v20+s15+$0x0], $0xffff;
	v20 =	vcvt.s32.f32 v20;
	[tilespmem:s26+$0x121E0] =	vst v5;
	v5 =	vmul.f32 $1.000000000e+01, v22  }
0x20c: {  	v16 =	vld [tilespmem:s29+$0x6190];
	v1 =	vadd.f32 v1, v9;
	v9 =	vtrunc.f32 v7;
	v18 =	vadd.f32 $1.000000000e+01, v18  }
0x20d: {  	v17 =	vmul.f32 $1.000000000e+01, v17;
	v21 =	vld.idx.msk [tilespmem:v15+s16+$0x0], $0xffff;
	v9 =	vcvt.f32.s32 v9;
	v5 =	vadd.f32 $1.000000000e+01, v5  }
0x20e: {  	v22 =	vld.idx.msk [tilespmem:v15+s15+$0x0], $0xffff;
	v10 =	vsub.f32 v10, v20;
	[tilespmem:s25+$0x125A0] =	vst v1;
	v1 =	vcvt.s32.f32 v15;
	v15 =	vtrunc.f32 v18  }
0x20f: {  	v17 =	vadd.f32 $1.000000000e+01, v17;
	v20 =	vld.idx.msk [tilespmem:v14+s16+$0x0], $0xffff;
	v15 =	vcvt.f32.s32 v15;
	v24 =	vtrunc.f32 v5  }
0x210: {  	v13 =	vld [tilespmem:s28+$0x61D0];
	v4 =	vsub.f32 v4, v1;
	v10 =	vmul.f32 v10, v11;
	v11 =	vcvt.s32.f32 v14  }
0x211: {  	v2 =	vmul.f32 $1.000000000e+01, v2;
	v14 =	vld.idx.msk [tilespmem:v14+s15+$0x0], $0xffff;
	v24 =	vcvt.f32.s32 v24  }
0x212: {  	v23 =	vld [tilespmem:s28+$0x61E0];
	v4 =	vmul.f32 v4, v21;
	v21 =	vtrunc.f32 v17;
	v6 =	vsub.f32 v6, v11  }
0x213: {  	v16 =	vmul.f32 $1.000000000e+01, v16;
	v10 =	vadd.f32 v10, v19;
	v11 =	vld.idx.msk [tilespmem:v9+s16+$0x0], $0xffff;
	v19 =	vcvt.f32.s32 v21  }
0x214: {  	v26 =	vadd.f32 $1.000000000e+01, v2;
	v21 =	vld.idx.msk [tilespmem:v9+s15+$0x0], $0xffff;
	v9 =	vcvt.s32.f32 v9;
	v6 =	vmul.f32 v6, v20  }
0x215: {  	v1 =	vld [tilespmem:s26+$0x65C0];
	v4 =	vadd.f32 v4, v22;
	[tilespmem:s28+$0x121B0] =	vst v10;
	v10 =	vmul.f32 $1.000000000e+01, v13;
	v13 =	vadd.f32 $1.000000000e+01, v16  }
0x216: {  	v8 =	vmul.f32 $1.000000000e+01, v8;
	v16 =	vld.idx.msk [tilespmem:v15+s16+$0x0], $0xffff;
	v7 =	vsub.f32 v7, v9;
	v6 =	vadd.f32 v6, v14  }
0x217: {  	v20 =	vld.idx.msk [tilespmem:v15+s15+$0x0], $0xffff;
	[tilespmem:s26+$0x121F0] =	vst v4;
	v9 =	vadd.f32 $1.000000000e+01, v10;
	v10 =	vtrunc.f32 v13;
	v14 =	vcvt.s32.f32 v15  }
0x218: {  	v8 =	vadd.f32 $1.000000000e+01, v8;
	v15 =	vld.idx.msk [tilespmem:v24+s16+$0x0], $0xffff;
	v10 =	vcvt.f32.s32 v10;
	v7 =	vmul.f32 v7, v11  }
0x219: {  	v22 =	vld.idx.msk [tilespmem:v24+s15+$0x0], $0xffff;
	[tilespmem:s25+$0x125B0] =	vst v6;
	v6 =	vtrunc.f32 v9;
	v11 =	vsub.f32 v18, v14;
	v14 =	vcvt.s32.f32 v24  }
0x21a: {  	v4 =	vtrunc.f32 v8;
	v18 =	vld.idx.msk [tilespmem:v19+s16+$0x0], $0xffff;
	v61 =	vcvt.f32.s32 v6;
	v2 =	vadd.f32 v7, v21  }
0x21b: {  	v6 =	vld [tilespmem:s26+$0x65B0];
	v7 =	vcvt.s32.f32 v19;
	v11 =	vmul.f32 v11, v16;
	v14 =	vsub.f32 v5, v14  }
0x21c: {  	v4 =	vcvt.f32.s32 v4;
	v16 =	vld.idx.msk [tilespmem:v19+s15+$0x0], $0xffff;
	v19 =	vtrunc.f32 v26  }
0x21d: {  	v5 =	vld [tilespmem:s28+$0x65A0];
	[tilespmem:s29+$0x12180] =	vst v2;
	v2 =	vadd.f32 v11, v20;
	v11 =	vmul.f32 v14, v15;
	v7 =	vsub.f32 v17, v7  }
0x21e: {  	v21 =	vld [tilespmem:s29+$0x61B0];
	v14 =	vmul.f32 $1.000000000e+01, v25;
	v17 =	vcvt.f32.s32 v19  }
0x21f: {  	v19 =	vmul.f32 $1.000000000e+01, v23;
	v15 =	vld.idx.msk [tilespmem:v10+s16+$0x0], $0xffff;
	[tilespmem:s28+$0x121C0] =	vst v2;
	v2 =	vadd.f32 v11, v22;
	v7 =	vmul.f32 v7, v18  }
0x220: {  	v20 =	vld.idx.msk [tilespmem:v10+s15+$0x0], $0xffff;
	v11 =	vcvt.s32.f32 v10;
	v14 =	vadd.f32 $1.000000000e+01, v14  }
0x221: {  	v10 =	vadd.f32 $1.000000000e+01, v19;
	v18 =	vld.idx.msk [tilespmem:v61+s16+$0x0], $0xffff;
	[tilespmem:s26+$0x12580] =	vst v2;
	v2 =	vadd.f32 v7, v16  }
0x222: {  	v22 =	vld.idx.msk [tilespmem:v61+s15+$0x0], $0xffff;
	v7 =	vsub.f32 v13, v11;
	v11 =	vtrunc.f32 v14;
	v13 =	vcvt.s32.f32 v61  }
0x223: {  	v3 =	vmul.f32 $1.000000000e+01, v3;
	v16 =	vld.idx.msk [tilespmem:v4+s16+$0x0], $0xffff;
	v23 =	vcvt.f32.s32 v11  }
0x224: {  	v11 =	vtrunc.f32 v10;
	v62 =	vld.idx.msk [tilespmem:v4+s15+$0x0], $0xffff;
	v4 =	vcvt.s32.f32 v4;
	v9 =	vsub.f32 v9, v13  }
0x225: {  	[tilespmem:s25+$0x125C0] =	vst v2;
	v2 =	vmul.f32 v7, v15;
	v7 =	vadd.f32 $1.000000000e+01, v3;
	v13 =	vcvt.f32.s32 v11;
	v3 =	vld [tilespmem:s28+$0x61F0]  }
0x226: {  	s2 =	simm.s32 $0x200;
	s1 =	simm.s32 $0x400;
	v11 =	vcvt.s32.f32 v17;
	v15 =	vld.idx.msk [tilespmem:v17+s16+$0x0], $0xffff;
	v9 =	vmul.f32 v9, v18  }
0x227: {  	s31 =	sand.u32 $0x380, s2;
	s0 =	sand.u32 $0x7800, s1;
	v4 =	vsub.f32 v8, v4;
	v19 =	vadd.f32 v2, v20;
	v2 =	vld.idx.msk [tilespmem:v17+s15+$0x0], $0xffff;
	v17 =	vtrunc.f32 v7  }
0x228: {  	s30 =	sor.u32 s31, s0;
	v8 =	vld [tilespmem:s28+$0x6590];
	v22 =	vadd.f32 v9, v22;
	v9 =	vcvt.f32.s32 v17  }
0x229: {  	v20 =	vld [tilespmem:s30+$0x6180];
	[tilespmem:s29+$0x12190] =	vst v19;
	v4 =	vmul.f32 v4, v16;
	v16 =	vsub.f32 v26, v11  }
0x22a: {  	v63 =	vmul.f32 $1.000000000e+01, v21;
	v19 =	vld.idx.msk [tilespmem:v23+s16+$0x0], $0xffff  }
0x22b: {  	v18 =	vld.idx.msk [tilespmem:v23+s15+$0x0], $0xffff;
	v17 =	vmul.f32 $1.000000000e+01, v3;
	[tilespmem:s28+$0x121D0] =	vst v22;
	v11 =	vadd.f32 v4, v62;
	v4 =	vmul.f32 v16, v15  }
0x22c: {  	s0 =	simm.s32 $0x500;
	v21 =	vcvt.s32.f32 v23;
	v3 =	vmul.f32 $1.000000000e+01, v12;
	v15 =	vadd.f32 $1.000000000e+01, v63;
	v16 =	vld.idx.msk [tilespmem:v13+s16+$0x0], $0xffff  }
.LBB2_9:
0x22d: {  	p0 =	sne.s32 s0, $0x5F00;
	v22 =	vld.idx.msk [tilespmem:v13+s15+$0x0], $0xffff;
	v17 =	vadd.f32 $1.000000000e+01, v17;
	[tilespmem:s26+$0x12590] =	vst v11;
	v6 =	vmul.f32 $1.000000000e+01, v6;
	v2 =	vadd.f32 v4, v2  }
0x22e: {  	v12 =	vcvt.s32.f32 v13;
	v4 =	vsub.f32 v14, v21;
	v11 =	vtrunc.f32 v15;
	v13 =	vld.idx.msk [tilespmem:v9+s16+$0x0], $0xffff  }
0x22f: {  	v11 =	vcvt.f32.s32 v11;
	v14 =	vld [tilespmem:s29+$0x61C0];
	v21 =	vtrunc.f32 v17;
	v6 =	vadd.f32 $1.000000000e+01, v6;
	[tilespmem:s25+$0x125D0] =	vst v2;
	s25 =	smov.u32 s26;
	s26 =	smov.u32 s28;
	s28 =	smov.u32 s29  }
0x230: {  	s29 =	smov.u32 s30;
	v2 =	vmul.f32 v4, v19;
	v4 =	vsub.f32 v10, v12;
	v10 =	vcvt.s32.f32 v9;
	v9 =	vld.idx.msk [tilespmem:v9+s15+$0x0], $0xffff  }
0x231: {  	v19 =	vcvt.f32.s32 v21;
	v21 =	vld [tilespmem:s26+$0x6580];
	v23 =	vtrunc.f32 v6  }
0x232: {  	v2 =	vadd.f32 v2, v18;
	v4 =	vmul.f32 v4, v16;
	v12 =	vld [tilespmem:s26+$0x65D0];
	v7 =	vsub.f32 v7, v10  }
0x233: {  	v10 =	vmul.f32 $1.000000000e+01, v20;
	v18 =	vcvt.f32.s32 v23;
	v16 =	vld [tilespmem:s28+$0x61D0]  }
0x234: {  	v1 =	vmul.f32 $1.000000000e+01, v1;
	v20 =	vld [tilespmem:s29+$0x6190];
	[tilespmem:s28+$0x121A0] =	vst v2;
	v2 =	vadd.f32 v4, v22;
	v4 =	vmul.f32 v7, v13  }
0x235: {  	v7 =	vadd.f32 $1.000000000e+01, v10;
	v13 =	vmul.f32 $1.000000000e+01, v14;
	v14 =	vmul.f32 $1.000000000e+01, v5;
	v10 =	vld.idx.msk [tilespmem:v11+s16+$0x0], $0xffff  }
0x236: {  	v8 =	vmul.f32 $1.000000000e+01, v8;
	v5 =	vld.idx.msk [tilespmem:v11+s15+$0x0], $0xffff;
	[tilespmem:s26+$0x121E0] =	vst v2;
	v2 =	vmul.f32 $1.000000000e+01, v21;
	v4 =	vadd.f32 v4, v9  }
0x237: {  	v9 =	vtrunc.f32 v7;
	v11 =	vcvt.s32.f32 v11;
	v13 =	vadd.f32 $1.000000000e+01, v13;
	v21 =	vld.idx.msk [tilespmem:v19+s16+$0x0], $0xffff  }
0x238: {  	v9 =	vcvt.f32.s32 v9;
	v16 =	vmul.f32 $1.000000000e+01, v16;
	v22 =	vld.idx.msk [tilespmem:v19+s15+$0x0], $0xffff;
	v2 =	vadd.f32 $1.000000000e+01, v2;
	[tilespmem:s25+$0x125A0] =	vst v4  }
0x239: {  	v4 =	vsub.f32 v15, v11;
	v11 =	vtrunc.f32 v13;
	v15 =	vcvt.s32.f32 v19;
	v19 =	vld.idx.msk [tilespmem:v18+s16+$0x0], $0xffff  }
0x23a: {  	v25 =	vadd.f32 $1.000000000e+01, v1;
	v11 =	vcvt.f32.s32 v11;
	v23 =	vld [tilespmem:s28+$0x61E0];
	v24 =	vtrunc.f32 v2  }
0x23b: {  	v4 =	vmul.f32 v4, v10;
	v10 =	vsub.f32 v17, v15;
	v15 =	vcvt.s32.f32 v18;
	v17 =	vld.idx.msk [tilespmem:v18+s15+$0x0], $0xffff  }
0x23c: {  	v18 =	vcvt.f32.s32 v24;
	v24 =	vtrunc.f32 v25;
	v1 =	vld [tilespmem:s26+$0x65C0]  }
0x23d: {  	v4 =	vadd.f32 v4, v5;
	v5 =	vmul.f32 v10, v21;
	v6 =	vsub.f32 v6, v15;
	v26 =	vld [tilespmem:s29+$0x61A0]  }
0x23e: {  	v15 =	vmul.f32 $1.000000000e+01, v20;
	v20 =	vcvt.f32.s32 v24;
	v10 =	vld.idx.msk [tilespmem:v9+s16+$0x0], $0xffff  }
0x23f: {  	v8 =	vadd.f32 $1.000000000e+01, v8;
	v21 =	vld.idx.msk [tilespmem:v9+s15+$0x0], $0xffff;
	[tilespmem:s28+$0x121B0] =	vst v4;
	v4 =	vadd.f32 v5, v22;
	v5 =	vmul.f32 v6, v19  }
0x240: {  	v6 =	vcvt.s32.f32 v9;
	v9 =	vadd.f32 $1.000000000e+01, v15;
	v19 =	vmul.f32 $1.000000000e+01, v23;
	v15 =	vld.idx.msk [tilespmem:v11+s16+$0x0], $0xffff  }
0x241: {  	v16 =	vadd.f32 $1.000000000e+01, v16;
	v22 =	vld.idx.msk [tilespmem:v11+s15+$0x0], $0xffff;
	[tilespmem:s26+$0x121F0] =	vst v4;
	v4 =	vtrunc.f32 v8;
	v5 =	vadd.f32 v5, v17  }
0x242: {  	v6 =	vsub.f32 v7, v6;
	v7 =	vtrunc.f32 v9;
	v11 =	vcvt.s32.f32 v11;
	v17 =	vld.idx.msk [tilespmem:v18+s16+$0x0], $0xffff  }
0x243: {  	v23 =	vcvt.f32.s32 v7;
	v7 =	vtrunc.f32 v16;
	v24 =	vld.idx.msk [tilespmem:v18+s15+$0x0], $0xffff;
	[tilespmem:s25+$0x125B0] =	vst v5  }
0x244: {  	v5 =	vmul.f32 v6, v10;
	v10 =	vsub.f32 v13, v11;
	v11 =	vcvt.s32.f32 v18;
	v13 =	vld.idx.msk [tilespmem:v20+s16+$0x0], $0xffff  }
0x245: {  	v3 =	vadd.f32 $1.000000000e+01, v3;
	v18 =	vcvt.f32.s32 v7;
	v7 =	vcvt.s32.f32 v20;
	v6 =	vld [tilespmem:s26+$0x65B0]  }
0x246: {  	v21 =	vadd.f32 v5, v21;
	v10 =	vmul.f32 v10, v15;
	v2 =	vsub.f32 v2, v11;
	v11 =	vld.idx.msk [tilespmem:v20+s15+$0x0], $0xffff  }
0x247: {  	v4 =	vcvt.f32.s32 v4;
	v15 =	vtrunc.f32 v3;
	v5 =	vld [tilespmem:s28+$0x65A0]  }
0x248: {  	v10 =	vadd.f32 v10, v22;
	v2 =	vmul.f32 v2, v17;
	v17 =	vsub.f32 v25, v7;
	[tilespmem:s29+$0x12180] =	vst v21;
	v21 =	vld [tilespmem:s29+$0x61B0]  }
0x249: {  	v15 =	vcvt.f32.s32 v15;
	v22 =	vmul.f32 $1.000000000e+01, v26;
	v20 =	vld.idx.msk [tilespmem:v23+s16+$0x0], $0xffff  }
0x24a: {  	v7 =	vadd.f32 $1.000000000e+01, v14;
	v2 =	vadd.f32 v2, v24;
	v13 =	vmul.f32 v17, v13;
	v25 =	vld.idx.msk [tilespmem:v23+s15+$0x0], $0xffff;
	[tilespmem:s28+$0x121C0] =	vst v10  }
0x24b: {  	v17 =	vcvt.s32.f32 v23;
	v14 =	vadd.f32 $1.000000000e+01, v22;
	v22 =	vld.idx.msk [tilespmem:v18+s16+$0x0], $0xffff  }
0x24c: {  	v10 =	vadd.f32 $1.000000000e+01, v19;
	v19 =	vtrunc.f32 v7;
	v23 =	vld.idx.msk [tilespmem:v18+s15+$0x0], $0xffff;
	[tilespmem:s26+$0x12580] =	vst v2;
	v2 =	vadd.f32 v13, v11  }
0x24d: {  	v9 =	vsub.f32 v9, v17;
	v11 =	vtrunc.f32 v14;
	v13 =	vcvt.s32.f32 v18;
	v17 =	vld.idx.msk [tilespmem:v4+s16+$0x0], $0xffff  }
0x24e: {  	v24 =	vcvt.f32.s32 v11;
	v11 =	vtrunc.f32 v10;
	v26 =	vld.idx.msk [tilespmem:v4+s15+$0x0], $0xffff;
	[tilespmem:s25+$0x125C0] =	vst v2  }
0x24f: {  	v2 =	vmul.f32 v9, v20;
	v9 =	vsub.f32 v16, v13;
	v4 =	vcvt.s32.f32 v4;
	v16 =	vld.idx.msk [tilespmem:v15+s16+$0x0], $0xffff  }
0x250: {  	s2 =	sadd.s32 $0x80, s2;
	v18 =	vcvt.s32.f32 v15;
	v13 =	vcvt.f32.s32 v11;
	v11 =	vld [tilespmem:s28+$0x61F0]  }
0x251: {  	s1 =	sand.u32 $0x7800, s0;
	s30 =	sand.u32 $0x380, s2;
	v25 =	vadd.f32 v2, v25;
	v22 =	vmul.f32 v9, v22;
	v4 =	vsub.f32 v8, v4;
	v2 =	vld.idx.msk [tilespmem:v15+s15+$0x0], $0xffff  }
.Ltmp4:
0x252: {  	s30 =	sor.u32 s30, s1;
	v9 =	vcvt.f32.s32 v19;
	v8 =	vld [tilespmem:s28+$0x6590];
	(pc) =	sbr.rel @p0 .LBB2_9-.Ltmp4, $4  }
0x253: {  	v3 =	vsub.f32 v3, v18;
	v15 =	vadd.f32 v22, v23;
	v4 =	vmul.f32 v4, v17;
	v20 =	vld [tilespmem:s30+$0x6180];
	[tilespmem:s29+$0x12190] =	vst v25  }
0x254: {  	v22 =	vmul.f32 $1.000000000e+01, v21;
	v19 =	vld.idx.msk [tilespmem:v24+s16+$0x0], $0xffff  }
0x255: {  	v18 =	vld.idx.msk [tilespmem:v24+s15+$0x0], $0xffff;
	[tilespmem:s28+$0x121D0] =	vst v15;
	v17 =	vmul.f32 $1.000000000e+01, v11;
	v11 =	vadd.f32 v4, v26;
	v4 =	vmul.f32 v3, v16  }
0x256: {  	s0 =	sadd.s32 $0x100, s0;
	v21 =	vcvt.s32.f32 v24;
	v15 =	vadd.f32 $1.000000000e+01, v22;
	v3 =	vmul.f32 $1.000000000e+01, v12;
	v16 =	vld.idx.msk [tilespmem:v13+s16+$0x0], $0xffff  }
0x257: {  	_ = 	snop  }
0x258: {  	v12 =	vmul.f32 $1.000000000e+01, v20;
	_ =	sdelay $0x1  }
0x259: {  	v12 =	vadd.f32 $1.000000000e+01, v12;
	_ =	sdelay $0x1  }
0x25a: {  	v32 =	vtrunc.f32 v12  }
0x25b: {  	v22 =	vld [tilespmem:s30+$0x6190];
	v20 =	vcvt.f32.s32 v32;
	_ =	sdelay $0x4  }
0x25c: {  	v22 =	vmul.f32 $1.000000000e+01, v22  }
0x25d: {  	v23 =	vld.idx.msk [tilespmem:v20+s16+$0x0], $0xffff  }
0x25e: {  	v22 =	vadd.f32 $1.000000000e+01, v22;
	v24 =	vcvt.s32.f32 v20  }
0x25f: {  	v20 =	vld.idx.msk [tilespmem:v20+s15+$0x0], $0xffff  }
0x260: {  	v33 =	vtrunc.f32 v22;
	v12 =	vsub.f32 v12, v24  }
0x261: {  	v25 =	vld [tilespmem:s30+$0x61A0];
	v24 =	vcvt.f32.s32 v33  }
0x262: {  	v12 =	vmul.f32 v12, v23;
	_ =	sdelay $0x1  }
0x263: {  	v12 =	vadd.f32 v12, v20;
	_ =	sdelay $0x1  }
0x264: {  	v34 =	vmul.f32 $1.000000000e+01, v25;
	[tilespmem:s30+$0x12180] =	vst v12  }
0x265: {  	v35 =	vld.idx.msk [tilespmem:v24+s16+$0x0], $0xffff  }
0x266: {  	v36 =	vcvt.s32.f32 v24;
	v12 =	vadd.f32 $1.000000000e+01, v34  }
0x267: {  	v24 =	vld.idx.msk [tilespmem:v24+s15+$0x0], $0xffff  }
0x268: {  	v22 =	vsub.f32 v22, v36;
	v37 =	vtrunc.f32 v12  }
0x269: {  	v38 =	vld [tilespmem:s30+$0x61B0];
	v23 =	vcvt.f32.s32 v37  }
0x26a: {  	v20 =	vmul.f32 v22, v35;
	_ =	sdelay $0x1  }
0x26b: {  	v20 =	vadd.f32 v20, v24;
	_ =	sdelay $0x1  }
0x26c: {  	v39 =	vmul.f32 $1.000000000e+01, v38;
	[tilespmem:s30+$0x12190] =	vst v20  }
0x26d: {  	v41 =	vld.idx.msk [tilespmem:v23+s16+$0x0], $0xffff  }
0x26e: {  	v43 =	vcvt.s32.f32 v23;
	v20 =	vadd.f32 $1.000000000e+01, v39  }
0x26f: {  	v14 =	vsub.f32 v14, v21;
	v40 =	vtrunc.f32 v15;
	v44 =	vld.idx.msk [tilespmem:v23+s15+$0x0], $0xffff  }
0x270: {  	v42 =	vld [tilespmem:s29+$0x61C0];
	v21 =	vcvt.f32.s32 v40;
	v12 =	vsub.f32 v12, v43;
	v45 =	vtrunc.f32 v20  }
0x271: {  	v47 =	vld [tilespmem:s30+$0x61C0];
	v14 =	vmul.f32 v14, v19;
	v46 =	vcvt.f32.s32 v45  }
0x272: {  	v12 =	vmul.f32 v12, v41  }
0x273: {  	v14 =	vadd.f32 v14, v18  }
0x274: {  	v12 =	vadd.f32 v12, v44  }
0x275: {  	v49 =	vmul.f32 $1.000000000e+01, v42;
	[tilespmem:s29+$0x121A0] =	vst v14  }
0x276: {  	v53 =	vmul.f32 $1.000000000e+01, v47;
	v50 =	vld.idx.msk [tilespmem:v21+s16+$0x0], $0xffff;
	[tilespmem:s30+$0x121A0] =	vst v12  }
0x277: {  	v51 =	vcvt.s32.f32 v21;
	v14 =	vadd.f32 $1.000000000e+01, v49;
	v56 =	vld.idx.msk [tilespmem:v46+s16+$0x0], $0xffff  }
0x278: {  	v21 =	vld.idx.msk [tilespmem:v21+s15+$0x0], $0xffff;
	v26 =	vcvt.s32.f32 v46;
	v12 =	vadd.f32 $1.000000000e+01, v53  }
0x279: {  	v54 =	vsub.f32 v15, v51;
	v55 =	vtrunc.f32 v14;
	v18 =	vld.idx.msk [tilespmem:v46+s15+$0x0], $0xffff  }
0x27a: {  	v48 =	vld [tilespmem:s29+$0x61D0];
	v19 =	vcvt.f32.s32 v55;
	v20 =	vsub.f32 v20, v26;
	v57 =	vtrunc.f32 v12  }
0x27b: {  	v52 =	vld [tilespmem:s30+$0x61D0];
	v15 =	vmul.f32 v54, v50;
	v58 =	vcvt.f32.s32 v57  }
0x27c: {  	v20 =	vmul.f32 v20, v56  }
0x27d: {  	v15 =	vadd.f32 v15, v21  }
0x27e: {  	v18 =	vadd.f32 v20, v18  }
0x27f: {  	v60 =	vmul.f32 $1.000000000e+01, v48;
	[tilespmem:s29+$0x121B0] =	vst v15  }
0x280: {  	v15 =	vld.idx.msk [tilespmem:v19+s16+$0x0], $0xffff;
	v24 =	vmul.f32 $1.000000000e+01, v52;
	[tilespmem:s30+$0x121B0] =	vst v18  }
0x281: {  	v61 =	vadd.f32 $1.000000000e+01, v60;
	v62 =	vcvt.s32.f32 v19;
	v28 =	vld.idx.msk [tilespmem:v58+s16+$0x0], $0xffff  }
0x282: {  	v19 =	vld.idx.msk [tilespmem:v19+s15+$0x0], $0xffff;
	v24 =	vadd.f32 $1.000000000e+01, v24;
	v29 =	vcvt.s32.f32 v58  }
0x283: {  	v27 =	vtrunc.f32 v61;
	v14 =	vsub.f32 v14, v62;
	v30 =	vld.idx.msk [tilespmem:v58+s15+$0x0], $0xffff  }
0x284: {  	v59 =	vld [tilespmem:s29+$0x61E0];
	v31 =	vtrunc.f32 v24;
	v12 =	vsub.f32 v12, v29;
	v18 =	vcvt.f32.s32 v27  }
0x285: {  	v63 =	vld [tilespmem:s30+$0x61E0];
	v14 =	vmul.f32 v14, v15;
	v21 =	vcvt.f32.s32 v31  }
0x286: {  	v12 =	vmul.f32 v12, v28  }
0x287: {  	v19 =	vadd.f32 v14, v19  }
0x288: {  	v12 =	vadd.f32 v12, v30  }
0x289: {  	v32 =	vld.idx.msk [tilespmem:v13+s15+$0x0], $0xffff;
	v33 =	vcvt.s32.f32 v13;
	v22 =	vmul.f32 $1.000000000e+01, v59;
	[tilespmem:s29+$0x121C0] =	vst v19  }
0x28a: {  	v25 =	vmul.f32 $1.000000000e+01, v63;
	v27 =	vld.idx.msk [tilespmem:v18+s16+$0x0], $0xffff;
	[tilespmem:s30+$0x121C0] =	vst v12  }
0x28b: {  	v10 =	vsub.f32 v10, v33;
	v36 =	vadd.f32 $1.000000000e+01, v22;
	v37 =	vcvt.s32.f32 v18;
	v41 =	vld.idx.msk [tilespmem:v21+s16+$0x0], $0xffff  }
0x28c: {  	v25 =	vadd.f32 $1.000000000e+01, v25;
	v29 =	vcvt.s32.f32 v21;
	v18 =	vld.idx.msk [tilespmem:v18+s15+$0x0], $0xffff  }
0x28d: {  	v38 =	vmul.f32 v10, v16;
	v39 =	vtrunc.f32 v36;
	v40 =	vsub.f32 v61, v37;
	v21 =	vld.idx.msk [tilespmem:v21+s15+$0x0], $0xffff  }
0x28e: {  	v43 =	vtrunc.f32 v25;
	v42 =	vcvt.f32.s32 v39;
	v24 =	vsub.f32 v24, v29;
	v28 =	vld [tilespmem:s29+$0x61F0]  }
0x28f: {  	v45 =	vld [tilespmem:s30+$0x61F0];
	v44 =	vcvt.f32.s32 v43;
	v16 =	vmul.f32 v40, v27  }
0x290: {  	v12 =	vadd.f32 v38, v32;
	v46 =	vmul.f32 v24, v41  }
0x291: {  	v17 =	vadd.f32 $1.000000000e+01, v17;
	v16 =	vadd.f32 v16, v18  }
0x292: {  	[tilespmem:s28+$0x121E0] =	vst v12;
	v12 =	vadd.f32 v46, v21  }
0x293: {  	v34 =	vld [tilespmem:s28+$0x6580];
	v35 =	vtrunc.f32 v17;
	v48 =	vmul.f32 $1.000000000e+01, v28;
	[tilespmem:s29+$0x121D0] =	vst v16  }
0x294: {  	v19 =	vcvt.f32.s32 v35;
	v51 =	vmul.f32 $1.000000000e+01, v45;
	v49 =	vld.idx.msk [tilespmem:v42+s16+$0x0], $0xffff;
	[tilespmem:s30+$0x121D0] =	vst v12  }
0x295: {  	v50 =	vcvt.s32.f32 v42;
	v16 =	vadd.f32 $1.000000000e+01, v48;
	v53 =	vld.idx.msk [tilespmem:v44+s16+$0x0], $0xffff  }
0x296: {  	v55 =	vcvt.s32.f32 v44;
	v30 =	vadd.f32 $1.000000000e+01, v51;
	v22 =	vld.idx.msk [tilespmem:v42+s15+$0x0], $0xffff  }
0x297: {  	v13 =	vsub.f32 v36, v50;
	v52 =	vtrunc.f32 v16;
	v18 =	vld.idx.msk [tilespmem:v44+s15+$0x0], $0xffff  }
0x298: {  	v54 =	vld [tilespmem:s29+$0x6580];
	v25 =	vsub.f32 v25, v55;
	v31 =	vtrunc.f32 v30;
	v26 =	vcvt.f32.s32 v52  }
0x299: {  	v58 =	vld [tilespmem:s30+$0x6580];
	v57 =	vcvt.f32.s32 v31;
	v13 =	vmul.f32 v13, v49  }
0x29a: {  	v23 =	vmul.f32 $1.000000000e+01, v34;
	v47 =	vld.idx.msk [tilespmem:v19+s16+$0x0], $0xffff;
	v21 =	vmul.f32 v25, v53  }
0x29b: {  	v56 =	vld.idx.msk [tilespmem:v19+s15+$0x0], $0xffff;
	v19 =	vcvt.s32.f32 v19;
	v13 =	vadd.f32 v13, v22  }
0x29c: {  	v23 =	vadd.f32 $1.000000000e+01, v23;
	v18 =	vadd.f32 v21, v18  }
0x29d: {  	v33 =	vld [tilespmem:s29+$0x65B0];
	v60 =	vmul.f32 $1.000000000e+01, v54;
	v17 =	vsub.f32 v17, v19;
	[tilespmem:s29+$0x121E0] =	vst v13  }
0x29e: {  	v59 =	vtrunc.f32 v23;
	v36 =	vmul.f32 $1.000000000e+01, v58;
	v62 =	vld.idx.msk [tilespmem:v26+s16+$0x0], $0xffff;
	[tilespmem:s30+$0x121E0] =	vst v18  }
0x29f: {  	v63 =	vadd.f32 $1.000000000e+01, v60;
	v17 =	vmul.f32 v17, v47;
	v35 =	vcvt.s32.f32 v26;
	v38 =	vld.idx.msk [tilespmem:v57+s16+$0x0], $0xffff  }
0x2a0: {  	v61 =	vcvt.f32.s32 v59;
	v39 =	vcvt.s32.f32 v57;
	v26 =	vld.idx.msk [tilespmem:v26+s15+$0x0], $0xffff;
	v18 =	vadd.f32 $1.000000000e+01, v36  }
0x2a1: {  	v37 =	vtrunc.f32 v63;
	v17 =	vadd.f32 v17, v56;
	v21 =	vsub.f32 v16, v35;
	v41 =	vld.idx.msk [tilespmem:v57+s15+$0x0], $0xffff  }
0x2a2: {  	v27 =	vld [tilespmem:s29+$0x6590];
	v24 =	vcvt.f32.s32 v37;
	v44 =	vsub.f32 v30, v39;
	v43 =	vtrunc.f32 v18  }
0x2a3: {  	v28 =	vld [tilespmem:s30+$0x6590];
	[tilespmem:s28+$0x121F0] =	vst v17;
	v40 =	vmul.f32 v21, v62;
	v17 =	vcvt.f32.s32 v43  }
0x2a4: {  	[tilespmem:s26+$0x12590] =	vst v11;
	v14 =	vld [tilespmem:s29+$0x65A0];
	v25 =	vmul.f32 v44, v38  }
0x2a5: {  	v8 =	vmul.f32 $1.000000000e+01, v8;
	v6 =	vmul.f32 $1.000000000e+01, v6;
	v42 =	vld.idx.msk [tilespmem:v9+s16+$0x0], $0xffff;
	v11 =	vadd.f32 v40, v26  }
0x2a6: {  	v5 =	vmul.f32 $1.000000000e+01, v5;
	v19 =	vcvt.s32.f32 v61;
	v45 =	vld.idx.msk [tilespmem:v61+s16+$0x0], $0xffff;
	v21 =	vadd.f32 v25, v41  }
0x2a7: {  	v6 =	vadd.f32 $1.000000000e+01, v6;
	v50 =	vmul.f32 $1.000000000e+01, v27;
	v46 =	vadd.f32 $1.000000000e+01, v8;
	v47 =	vld.idx.msk [tilespmem:v61+s15+$0x0], $0xffff;
	[tilespmem:s29+$0x121F0] =	vst v11  }
0x2a8: {  	v48 =	vcvt.s32.f32 v9;
	v28 =	vmul.f32 $1.000000000e+01, v28;
	v19 =	vsub.f32 v23, v19;
	v32 =	vld.idx.msk [tilespmem:v24+s16+$0x0], $0xffff;
	[tilespmem:s30+$0x121F0] =	vst v21  }
0x2a9: {  	v51 =	vcvt.s32.f32 v24;
	v49 =	vtrunc.f32 v46;
	v53 =	vadd.f32 $1.000000000e+01, v50;
	v54 =	vld.idx.msk [tilespmem:v17+s16+$0x0], $0xffff  }
0x2aa: {  	v28 =	vadd.f32 $1.000000000e+01, v28;
	v31 =	vcvt.f32.s32 v49;
	v56 =	vcvt.s32.f32 v17;
	v24 =	vld.idx.msk [tilespmem:v24+s15+$0x0], $0xffff  }
0x2ab: {  	v20 =	vsub.f32 v63, v51;
	v19 =	vmul.f32 v19, v45;
	v57 =	vtrunc.f32 v53;
	v17 =	vld.idx.msk [tilespmem:v17+s15+$0x0], $0xffff  }
0x2ac: {  	v15 =	vld [tilespmem:s30+$0x65A0];
	v59 =	vtrunc.f32 v28;
	v29 =	vcvt.f32.s32 v57;
	v18 =	vsub.f32 v18, v56  }
0x2ad: {  	v52 =	vld.idx.msk [tilespmem:v9+s15+$0x0], $0xffff;
	v60 =	vcvt.f32.s32 v59;
	v19 =	vadd.f32 v19, v47;
	v20 =	vmul.f32 v20, v32  }
0x2ae: {  	v5 =	vadd.f32 $1.000000000e+01, v5;
	v58 =	vld [tilespmem:s28+$0x65B0];
	v7 =	vsub.f32 v7, v48;
	v18 =	vmul.f32 v18, v54  }
0x2af: {  	v14 =	vmul.f32 $1.000000000e+01, v14;
	v55 =	vtrunc.f32 v6;
	v8 =	vld [tilespmem:s29+$0x65C0];
	[tilespmem:s28+$0x12580] =	vst v19;
	v20 =	vadd.f32 v20, v24  }
0x2b0: {  	v7 =	vmul.f32 v7, v42;
	v61 =	vcvt.f32.s32 v55;
	v62 =	vld.idx.msk [tilespmem:v31+s16+$0x0], $0xffff;
	v17 =	vadd.f32 v18, v17  }
0x2b1: {  	v34 =	vtrunc.f32 v5;
	v63 =	vld.idx.msk [tilespmem:v31+s15+$0x0], $0xffff;
	v31 =	vcvt.s32.f32 v31;
	[tilespmem:s29+$0x12580] =	vst v20  }
0x2b2: {  	v15 =	vmul.f32 $1.000000000e+01, v15;
	v9 =	vcvt.f32.s32 v34;
	v7 =	vadd.f32 v7, v52;
	v37 =	vld.idx.msk [tilespmem:v29+s16+$0x0], $0xffff;
	[tilespmem:s30+$0x12580] =	vst v17  }
0x2b3: {  	v39 =	vcvt.s32.f32 v29;
	v36 =	vsub.f32 v46, v31;
	v38 =	vadd.f32 $1.000000000e+01, v14;
	v17 =	vld.idx.msk [tilespmem:v60+s16+$0x0], $0xffff  }
0x2b4: {  	v15 =	vadd.f32 $1.000000000e+01, v15;
	v43 =	vcvt.s32.f32 v61;
	v41 =	vcvt.s32.f32 v60;
	v29 =	vld.idx.msk [tilespmem:v29+s15+$0x0], $0xffff  }
0x2b5: {  	[tilespmem:s26+$0x125A0] =	vst v7;
	v14 =	vsub.f32 v53, v39;
	v42 =	vtrunc.f32 v38;
	v20 =	vmul.f32 v36, v62;
	v11 =	vld.idx.msk [tilespmem:v60+s15+$0x0], $0xffff  }
0x2b6: {  	v40 =	vld.idx.msk [tilespmem:v61+s16+$0x0], $0xffff;
	v44 =	vtrunc.f32 v15;
	v23 =	vsub.f32 v28, v41;
	v21 =	vcvt.f32.s32 v42  }
0x2b7: {  	v35 =	vld [tilespmem:s30+$0x65B0];
	v45 =	vcvt.f32.s32 v44;
	v20 =	vadd.f32 v20, v63;
	v14 =	vmul.f32 v14, v37  }
0x2b8: {  	v16 =	vld [tilespmem:s28+$0x65C0];
	v17 =	vmul.f32 v23, v17  }
0x2b9: {  	v47 =	vmul.f32 $1.000000000e+01, v58;
	v19 =	vld.idx.msk [tilespmem:v61+s15+$0x0], $0xffff;
	v6 =	vsub.f32 v6, v43;
	[tilespmem:s28+$0x12590] =	vst v20;
	v14 =	vadd.f32 v14, v29  }
0x2ba: {  	v1 =	vmul.f32 $1.000000000e+01, v1;
	v50 =	vcvt.s32.f32 v9;
	v49 =	vld.idx.msk [tilespmem:v9+s16+$0x0], $0xffff;
	v11 =	vadd.f32 v17, v11  }
0x2bb: {  	v51 =	vmul.f32 $1.000000000e+01, v33;
	v6 =	vmul.f32 v6, v40;
	v24 =	vadd.f32 $1.000000000e+01, v47;
	v9 =	vld.idx.msk [tilespmem:v9+s15+$0x0], $0xffff;
	[tilespmem:s29+$0x12590] =	vst v14  }
0x2bc: {  	v5 =	vsub.f32 v5, v50;
	v57 =	vcvt.s32.f32 v45;
	v54 =	vmul.f32 $1.000000000e+01, v35;
	v53 =	vld.idx.msk [tilespmem:v21+s16+$0x0], $0xffff;
	[tilespmem:s30+$0x12590] =	vst v11  }
0x2bd: {  	v55 =	vcvt.s32.f32 v21;
	v52 =	vtrunc.f32 v24;
	v14 =	vadd.f32 $1.000000000e+01, v51;
	v56 =	vld.idx.msk [tilespmem:v45+s16+$0x0], $0xffff  }
0x2be: {  	v6 =	vadd.f32 v6, v19;
	v19 =	vcvt.f32.s32 v52;
	v21 =	vld.idx.msk [tilespmem:v21+s15+$0x0], $0xffff;
	v11 =	vadd.f32 $1.000000000e+01, v54  }
0x2bf: {  	v7 =	vsub.f32 v38, v55;
	v5 =	vmul.f32 v5, v49;
	v58 =	vtrunc.f32 v14;
	v22 =	vld.idx.msk [tilespmem:v45+s15+$0x0], $0xffff  }
0x2c0: {  	v10 =	vld [tilespmem:s28+$0x65D0];
	v15 =	vsub.f32 v15, v57;
	v17 =	vcvt.f32.s32 v58;
	v59 =	vtrunc.f32 v11  }
0x2c1: {  	v27 =	vld [tilespmem:s30+$0x65C0];
	v5 =	vadd.f32 v5, v9;
	v7 =	vmul.f32 v7, v53;
	v60 =	vcvt.f32.s32 v59  }
0x2c2: {  	v1 =	vadd.f32 $1.000000000e+01, v1;
	v12 =	vld [tilespmem:s29+$0x65D0];
	v15 =	vmul.f32 v15, v56  }
0x2c3: {  	v3 =	vadd.f32 $1.000000000e+01, v3;
	v13 =	vld [tilespmem:s30+$0x65D0];
	v61 =	vmul.f32 $1.000000000e+01, v16;
	[tilespmem:s28+$0x125A0] =	vst v5;
	v26 =	vadd.f32 v7, v21  }
0x2c4: {  	v8 =	vmul.f32 $1.000000000e+01, v8;
	v46 =	vtrunc.f32 v1;
	[tilespmem:s26+$0x125B0] =	vst v6;
	v29 =	vld.idx.msk [tilespmem:v19+s16+$0x0], $0xffff;
	v15 =	vadd.f32 v15, v22  }
0x2c5: {  	v48 =	vcvt.f32.s32 v46;
	v6 =	vadd.f32 $1.000000000e+01, v61;
	v30 =	vcvt.s32.f32 v19;
	v19 =	vld.idx.msk [tilespmem:v19+s15+$0x0], $0xffff;
	[tilespmem:s29+$0x125A0] =	vst v26  }
0x2c6: {  	v10 =	vmul.f32 $1.000000000e+01, v10;
	v33 =	vmul.f32 $1.000000000e+01, v27;
	v8 =	vadd.f32 $1.000000000e+01, v8;
	v32 =	vld.idx.msk [tilespmem:v17+s16+$0x0], $0xffff;
	[tilespmem:s30+$0x125A0] =	vst v15  }
0x2c7: {  	v31 =	vtrunc.f32 v6;
	v34 =	vsub.f32 v24, v30;
	v35 =	vcvt.s32.f32 v17;
	v36 =	vld.idx.msk [tilespmem:v60+s16+$0x0], $0xffff  }
0x2c8: {  	v25 =	vadd.f32 $1.000000000e+01, v33;
	v5 =	vcvt.f32.s32 v31;
	v37 =	vcvt.s32.f32 v60;
	v17 =	vld.idx.msk [tilespmem:v17+s15+$0x0], $0xffff  }
0x2c9: {  	v38 =	vtrunc.f32 v8;
	v14 =	vsub.f32 v14, v35;
	v15 =	vmul.f32 v34, v29;
	v9 =	vld.idx.msk [tilespmem:v60+s15+$0x0], $0xffff  }
0x2ca: {  	v39 =	vtrunc.f32 v25;
	v21 =	vcvt.f32.s32 v38;
	v11 =	vsub.f32 v11, v37  }
0x2cb: {  	v40 =	vcvt.f32.s32 v39;
	v62 =	vld.idx.msk [tilespmem:v48+s16+$0x0], $0xffff;
	v14 =	vmul.f32 v14, v32;
	v15 =	vadd.f32 v15, v19  }
0x2cc: {  	v10 =	vadd.f32 $1.000000000e+01, v10;
	v63 =	vcvt.s32.f32 v48;
	v11 =	vmul.f32 v11, v36  }
0x2cd: {  	v12 =	vmul.f32 $1.000000000e+01, v12;
	v13 =	vmul.f32 $1.000000000e+01, v13;
	v20 =	vld.idx.msk [tilespmem:v48+s15+$0x0], $0xffff;
	v14 =	vadd.f32 v14, v17;
	[tilespmem:s28+$0x125B0] =	vst v15  }
0x2ce: {  	v28 =	vtrunc.f32 v3;
	v1 =	vsub.f32 v1, v63;
	v15 =	vld.idx.msk [tilespmem:v5+s16+$0x0], $0xffff;
	v9 =	vadd.f32 v11, v9  }
0x2cf: {  	v42 =	vtrunc.f32 v10;
	v41 =	vcvt.s32.f32 v5;
	v5 =	vld.idx.msk [tilespmem:v5+s15+$0x0], $0xffff;
	[tilespmem:s29+$0x125B0] =	vst v14  }
0x2d0: {  	v13 =	vadd.f32 $1.000000000e+01, v13;
	v1 =	vmul.f32 v1, v62;
	v7 =	vcvt.f32.s32 v28;
	v43 =	vld.idx.msk [tilespmem:v21+s16+$0x0], $0xffff;
	[tilespmem:s30+$0x125B0] =	vst v9  }
0x2d1: {  	v45 =	vadd.f32 $1.000000000e+01, v12;
	v6 =	vsub.f32 v6, v41;
	v44 =	vcvt.s32.f32 v21;
	v46 =	vld.idx.msk [tilespmem:v40+s16+$0x0], $0xffff  }
0x2d2: {  	v48 =	vcvt.s32.f32 v40;
	v1 =	vadd.f32 v1, v20;
	v14 =	vcvt.f32.s32 v42;
	v47 =	vld.idx.msk [tilespmem:v21+s15+$0x0], $0xffff  }
0x2d3: {  	v49 =	vtrunc.f32 v45;
	v8 =	vsub.f32 v8, v44;
	v6 =	vmul.f32 v6, v15;
	v50 =	vld.idx.msk [tilespmem:v40+s15+$0x0], $0xffff  }
0x2d4: {  	v18 =	vsub.f32 v25, v48;
	v51 =	vtrunc.f32 v13;
	v15 =	vcvt.f32.s32 v49  }
0x2d5: {  	[tilespmem:s26+$0x125C0] =	vst v1;
	v53 =	vcvt.f32.s32 v51;
	v52 =	vmul.f32 v8, v43;
	v1 =	vadd.f32 v6, v5  }
0x2d6: {  	v54 =	vld.idx.msk [tilespmem:v7+s16+$0x0], $0xffff;
	v12 =	vmul.f32 v18, v46  }
0x2d7: {  	v55 =	vld.idx.msk [tilespmem:v7+s15+$0x0], $0xffff;
	[tilespmem:s28+$0x125C0] =	vst v1;
	v1 =	vadd.f32 v52, v47  }
0x2d8: {  	v56 =	vld.idx.msk [tilespmem:v14+s16+$0x0], $0xffff;
	v9 =	vadd.f32 v12, v50  }
0x2d9: {  	v7 =	vcvt.s32.f32 v7;
	v57 =	vld.idx.msk [tilespmem:v14+s15+$0x0], $0xffff;
	[tilespmem:s29+$0x125C0] =	vst v1  }
0x2da: {  	v1 =	vcvt.s32.f32 v14;
	v58 =	vld.idx.msk [tilespmem:v15+s16+$0x0], $0xffff;
	[tilespmem:s30+$0x125C0] =	vst v9  }
0x2db: {  	v3 =	vsub.f32 v3, v7;
	v59 =	vcvt.s32.f32 v15;
	v9 =	vld.idx.msk [tilespmem:v53+s16+$0x0], $0xffff  }
0x2dc: {  	v61 =	vcvt.s32.f32 v53;
	v60 =	vld.idx.msk [tilespmem:v15+s15+$0x0], $0xffff;
	v1 =	vsub.f32 v10, v1  }
0x2dd: {  	v3 =	vmul.f32 v3, v54;
	v7 =	vsub.f32 v45, v59;
	v6 =	vld.idx.msk [tilespmem:v53+s15+$0x0], $0xffff  }
0x2de: {  	v2 =	vadd.f32 v4, v2;
	v62 =	vsub.f32 v13, v61;
	v1 =	vmul.f32 v1, v56  }
0x2df: {  	s23 =	sadd.s32 $0x1, s23;
	v3 =	vadd.f32 v3, v55;
	v63 =	vmul.f32 v7, v58  }
0x2e0: {  	p0 =	sne.s32 s23, $0x7;
	[tilespmem:s25+$0x125D0] =	vst v2;
	v1 =	vadd.f32 v1, v57;
	v2 =	vmul.f32 v62, v9  }
.Ltmp5:
0x2e1: {  	[tilespmem:s26+$0x125D0] =	vst v3;
	v3 =	vadd.f32 v63, v60;
	(pc) =	sbr.rel @p0 .LBB2_2-.Ltmp5, $4  }
0x2e2: {  	[tilespmem:s28+$0x125D0] =	vst v1;
	v1 =	vadd.f32 v2, v6  }
0x2e3: {  	[tilespmem:s29+$0x125D0] =	vst v3  }
0x2e4: {  	s0 =	sadd.s32 s4, s24;
	[tilespmem:s30+$0x125D0] =	vst v1  }
0x2e5: {  	[hbm4b:s0+s5] =	stream.linear.scatter [tilespmem:s20], [sflag:$0x4], $0x6000, $0x38;
	[tilespmem:$0x18180] =	vst v63  }
0x2e6: {  	s22 =	sadd.s32 $0x1, s22  }
0x2e7: {  	_ =	swait.ge [sflag:s21], $0x6000;
	p0 =	sne.s32 s22, s10  }
.Ltmp6:
0x2e8: {  	[sflag:s21] =	ssyncset.done $0x0;
	(pc) =	sbr.rel @p0 .LBB2_1-.Ltmp6, $4  }
0x2e9: {  	[sflag:s21] =	ssyncadd.s32 $0xFFFFA000  }
0x2ea: {  	_ =	swait.ge [sflag:s19], $0x6000  }
0x2eb: {  	[sflag:s19] =	ssyncset.done $0x0  }
0x2ec: {  	[sflag:s19] =	ssyncadd.s32 $0xFFFFA000  }
0x2ed: {  	_ =	sfence.sel $0x180000  }
0x2ee: {  	[bflag:$0x0] =	sbarrier.arrive $0xFFFF  }
0x2ef: {  	_ =	strace $0x90000047  }
0x2f0: {  	s0 =	stileid.u32;
	[bflag:$0x2] =	sbarrier.arrive $0xFFFF  }
0x2f1: {  	p0 =	sne.s32 s0, $0x0;
	s0 =	rddreg [dreg:$0x3]  }
0x2f2: {  	s0 =	sadd.s32 @!p0 $0x100000, s0  }
0x2f3: {  	[sflag:s0] =	ssyncadd.tile.s32 @!p0 $0x1;
	_ =	shalt  }
.Lfunc_end2:
_tile_overlayer_lowered:
.L_overlay_start_2:
0x2f4: {  	(tag) =	ssettag $0x2  }
0x2f5: {  	s0 =	rddreg [dreg:$0x0];
	s2 =	stileid.u32  }
0x2f6: {  	s1 =	rddreg [dreg:$0x1];
	p0 =	sne.s32 s2, $0x0  }
0x2f7: {  	s3 =	rddreg [dreg:$0x2];
	[bflag:$0x3] =	sbarrier.arrive $0xFFFF;
	s2 =	simm.s32 @!p0 $0x1C05  }
0x2f8: {  	[timem:s3], [sflag:s2] =	dma.local @!p0 [hbm:s0], s1  }
0x2f9: {  	s0 =	simm.s32 @!p0 $0x5  }
0x2fa: {  	_ =	swait.ge @!p0 [sflag:s0], s1  }
0x2fb: {  	s1 =	ssub.s32 @!p0 $0x0, s1;
	[sflag:s0] =	ssyncset.done @!p0 $0x0  }
0x2fc: {  	[sflag:s0] =	ssyncadd.s32 @!p0 s1  }
0x2fd: {  	[bflag:$0x3] =	sbarrier.arrive $0xFFFF  }
0x2fe: {  	_ =	shalt  }

</sc_bundles>
